<compile_context>
chip_gen: v7x
topology: tpu7x:2x2x1
jax: 0.10.2.dev20260603
libtpu: 0.0.44.dev20260713+nightly
codegen_flags: <defaults>
</compile_context>

<pallas_src>
import functools

import jax
import jax.numpy as jnp
from jax import lax
from jax.experimental import pallas as pl
from jax.experimental.pallas import tpu as pltpu
from jax.experimental.pallas import tpu_sc as plsc

MARGIN = 0.2
N = 4096
TCA_ROWS = 1024
TCB_ROWS = 2048
TC_ROWS = TCA_ROWS + TCB_ROWS
TC_BLK = 256
NC, NS, L = 2, 16, 16
NW = NC * NS
SC_ROWS = N - TC_ROWS
ROWS_PER_W = SC_ROWS // NW
R = 8
NBUF = 3
NCHUNK = ROWS_PER_W // R
SLICES = 8
COLS_PER_IT = SLICES * L
NEG_INF = float("-inf")

_mesh = plsc.VectorSubcoreMesh(core_axis_name="c", subcore_axis_name="s")


@functools.partial(
    pl.kernel,
    out_type=jax.ShapeDtypeStruct((NW, L), jnp.float32),
    mesh=_mesh,
    compiler_params=pltpu.CompilerParams(needs_layout_passes=False),
    scratch_types=[
        pltpu.VMEM((NBUF * R, N), jnp.float32),
        pltpu.VMEM((L,), jnp.float32),
        [pltpu.SemaphoreType.DMA for _ in range(NBUF)],
    ],
)
def _sc_partials(mat_hbm, tca_hbm, out_hbm, buf, obuf, sems):
    del tca_hbm
    wid = lax.axis_index("s") * NC + lax.axis_index("c")
    base = TC_ROWS + wid * ROWS_PER_W

    for b in range(NBUF):
        pltpu.async_copy(mat_hbm.at[pl.ds(base + b * R, R)],
                         buf.at[pl.ds(b * R, R)], sems[b])

    lanes = lax.iota(jnp.int32, L)
    neg_fill = jnp.full((L,), NEG_INF, jnp.float32)

    def body(c, loss):
        bsel = lax.rem(c, NBUF)
        boff = bsel * R
        row0 = base + c * R
        for b in range(NBUF):
            @pl.when(bsel == b)
            def _():
                pltpu.make_async_copy(
                    mat_hbm.at[pl.ds(row0, R)],
                    buf.at[pl.ds(b * R, R)], sems[b]).wait()

        poss = []
        for r in range(R):
            col = row0 + r
            sb = (col // L) * L
            tgt = col - sb
            v = buf[boff + r, pl.ds(sb, L)]
            m = lanes == tgt
            poss.append(jnp.max(jnp.where(m, v, neg_fill)))
            buf[boff + r, pl.ds(sb, L)] = jnp.where(m, neg_fill, v)

        def inner(k, accs):
            c0 = k * COLS_PER_IT
            out = []
            for r in range(R):
                vs = [buf[boff + r, pl.ds(c0 + s * L, L)]
                      for s in range(SLICES)]
                while len(vs) > 1:
                    vs = [jnp.maximum(vs[i], vs[i + 1])
                          for i in range(0, len(vs), 2)]
                out.append(jnp.maximum(accs[r], vs[0]))
            return tuple(out)

        accs = lax.fori_loop(0, N // COLS_PER_IT, inner, (neg_fill,) * R)
        for r in range(R):
            loss = loss + jnp.maximum(jnp.max(accs[r]) - poss[r] + MARGIN,
                                      0.0)

        for b in range(NBUF):
            @pl.when((bsel == b) & (c + NBUF < NCHUNK))
            def _():
                pltpu.async_copy(
                    mat_hbm.at[pl.ds(row0 + NBUF * R, R)],
                    buf.at[pl.ds(b * R, R)], sems[b])
        return loss

    loss = lax.fori_loop(0, NCHUNK, body, jnp.float32(0.0))
    obuf[...] = jnp.broadcast_to(loss, (L,))
    pltpu.sync_copy(obuf, out_hbm.at[wid])


def _make_tc_body(blk0):
    def _tc_body(mat_ref, out_ref):
        i = pl.program_id(0)
        rl = lax.broadcasted_iota(jnp.int32, (TC_BLK, TC_BLK), 0)
        cl = lax.broadcasted_iota(jnp.int32, (TC_BLK, TC_BLK), 1)
        dmask = rl == cl
        cwin = (i + blk0) * TC_BLK
        sub = mat_ref[:, pl.ds(cwin, TC_BLK)]
        pos = jnp.max(jnp.where(dmask, sub, NEG_INF), axis=1)
        mat_ref[:, pl.ds(cwin, TC_BLK)] = jnp.where(dmask, NEG_INF, sub)
        neg = jnp.max(mat_ref[...], axis=1)
        part = jnp.sum(jnp.maximum(neg - pos + MARGIN, 0.0))

        @pl.when(i == 0)
        def _():
            out_ref[0, 0] = 0.0

        out_ref[0, 0] += part

    return _tc_body


def _make_tc_loss(blk0, nrows):
    return pl.pallas_call(
        _make_tc_body(blk0),
        grid=(nrows // TC_BLK,),
        in_specs=[pl.BlockSpec((TC_BLK, N), lambda i, b=blk0: (i + b, 0))],
        out_specs=pl.BlockSpec(memory_space=pltpu.SMEM),
        out_shape=jax.ShapeDtypeStruct((1, 1), jnp.float32),
    )


_tca_loss = _make_tc_loss(0, TCA_ROWS)
_tcb_loss = _make_tc_loss(TCA_ROWS // TC_BLK, TCB_ROWS)


def kernel(matrix):
    tca = _tca_loss(matrix)
    sc = _sc_partials(matrix, tca)
    tcb = _tcb_loss(matrix)
    return tca[0, 0] + tcb[0, 0] + jnp.sum(sc[:, 0])

# --- scband reference (transcript-rebuilt; emitter-appended) ---
"""Pipeline reference for scband-contrastive-loss-65721589563651 (READ-ONLY COPY).

The authoritative reference and input builder live on the scoring server;
editing this copy changes nothing except your own understanding.
"""

import jax, jax.numpy as jnp
import numpy as np

MARGIN = 0.2

def setup_inputs(seed: int = 0) -> dict:
    key = jax.random.key(seed)
    matrix = jax.random.normal(key, (4096, 4096), dtype=jnp.float32)
    return {"matrix": matrix}

def reference(matrix):
    batchsize = matrix.shape[0]
    positive_indices = jnp.arange(batchsize)
    # torch.argsort(matrix, descending=True)[:, :2]
    negative_candidate_indices = jnp.argsort(-matrix, axis=-1)[:, :2]
    negative_is_first = negative_candidate_indices[:, 0] != positive_indices
    negative_indices = jnp.where(negative_is_first,
                                 negative_candidate_indices[:, 0],
                                 negative_candidate_indices[:, 1])
    positives = matrix[positive_indices, positive_indices]
    negatives = matrix[positive_indices, negative_indices]
    loss = jnp.clip(negatives - positives + MARGIN, 0.0, None)
    return jnp.sum(loss)

if __name__ == "__main__":
    import jax
    _d = setup_inputs()
    print(jax.jit(kernel)(*tuple(_d.values())))

</pallas_src>

<mosaic_0001>
#map = affine_map<(d0, d1) -> (0, 0)>
module attributes {stable_mosaic.version = 14 : i64} {
  func.func @_sc_partials(%arg0: i32, %arg1: i32, %arg2: memref<4096x4096xf32, #tpu.memory_space<hbm>>, %arg3: memref<1x1xf32, #tpu.memory_space<hbm>>, %arg4: memref<32x16xf32, #tpu.memory_space<hbm>>, %arg5: memref<24x4096xf32, #tpu.memory_space<vmem>>, %arg6: memref<16xf32, #tpu.memory_space<vmem>>, %arg7: memref<!tpu.dma_semaphore, #tpu.memory_space<semaphore_mem>>, %arg8: memref<!tpu.dma_semaphore, #tpu.memory_space<semaphore_mem>>, %arg9: memref<!tpu.dma_semaphore, #tpu.memory_space<semaphore_mem>>) attributes {dimension_semantics = [#tpu.dimension_semantics<core_parallel>, #tpu.dimension_semantics<subcore_parallel>], iteration_bounds = array<i64: 2, 16>, scalar_prefetch = 0 : i64, scratch_operands = 5 : i64, tpu.core_type = #tpu.core_type<sc_vector_subcore>, window_params = [{transform_indices = #map}, {transform_indices = #map}, {transform_indices = #map}]} {
    %mul3A = arith.constant 2 : i32
    %mul3A_0 = arith.muli %arg1, %mul3A : i32
    %add3A = arith.addi %mul3A_0, %arg0 : i32
    %mul3A_1 = arith.constant 32 : i32
    %mul3A_2 = arith.muli %add3A, %mul3A_1 : i32
    %add3A_3 = arith.constant 3072 : i32
    %add3A_4 = arith.addi %add3A_3, %mul3A_2 : i32
    %add3A_5 = arith.constant 0 : i32
    %add3A_6 = arith.addi %add3A_4, %add3A_5 : i32
    %dma_start3A = arith.constant 0 : i32
    %dma_start3A_7 = arith.constant 0 : i32
    %dma_start3A_8 = tpu.memref_slice %arg5[%dma_start3A, %dma_start3A_7] : memref<24x4096xf32, #tpu.memory_space<vmem>> -> memref<8x4096xf32, #tpu.memory_space<vmem>>
    %dma_start3A_9 = arith.constant 0 : i32
    %dma_start3A_10 = tpu.memref_slice %arg2[%add3A_6, %dma_start3A_9] : memref<4096x4096xf32, #tpu.memory_space<hbm>> -> memref<8x4096xf32, #tpu.memory_space<hbm>>
    %dma_start3A_11 = arith.constant 0 : i32
    %dma_start3A_12 = arith.constant 0 : i32
    %dma_start3A_13 = tpu.memref_slice %arg5[%dma_start3A_11, %dma_start3A_12] : memref<24x4096xf32, #tpu.memory_space<vmem>> -> memref<8x4096xf32, #tpu.memory_space<vmem>>
    %dma_start3A_14 = arith.constant 0 : i32
    %dma_start3A_15 = tpu.memref_slice %arg2[%add3A_6, %dma_start3A_14] : memref<4096x4096xf32, #tpu.memory_space<hbm>> -> memref<8x4096xf32, #tpu.memory_space<hbm>>
    tpu.enqueue_dma source(%dma_start3A_15 : memref<8x4096xf32, #tpu.memory_space<hbm>>) target(%dma_start3A_13 : memref<8x4096xf32, #tpu.memory_space<vmem>>) target_semaphore(%arg7 : memref<!tpu.dma_semaphore, #tpu.memory_space<semaphore_mem>>)
    %add3A_16 = arith.constant 8 : i32
    %add3A_17 = arith.addi %add3A_4, %add3A_16 : i32
    %dma_start3A_18 = arith.constant 8 : i32
    %dma_start3A_19 = arith.constant 0 : i32
    %dma_start3A_20 = tpu.memref_slice %arg5[%dma_start3A_18, %dma_start3A_19] : memref<24x4096xf32, #tpu.memory_space<vmem>> -> memref<8x4096xf32, #tpu.memory_space<vmem>>
    %dma_start3A_21 = arith.constant 0 : i32
    %dma_start3A_22 = tpu.memref_slice %arg2[%add3A_17, %dma_start3A_21] : memref<4096x4096xf32, #tpu.memory_space<hbm>> -> memref<8x4096xf32, #tpu.memory_space<hbm>>
    %dma_start3A_23 = arith.constant 8 : i32
    %dma_start3A_24 = arith.constant 0 : i32
    %dma_start3A_25 = tpu.memref_slice %arg5[%dma_start3A_23, %dma_start3A_24] : memref<24x4096xf32, #tpu.memory_space<vmem>> -> memref<8x4096xf32, #tpu.memory_space<vmem>>
    %dma_start3A_26 = arith.constant 0 : i32
    %dma_start3A_27 = tpu.memref_slice %arg2[%add3A_17, %dma_start3A_26] : memref<4096x4096xf32, #tpu.memory_space<hbm>> -> memref<8x4096xf32, #tpu.memory_space<hbm>>
    tpu.enqueue_dma source(%dma_start3A_27 : memref<8x4096xf32, #tpu.memory_space<hbm>>) target(%dma_start3A_25 : memref<8x4096xf32, #tpu.memory_space<vmem>>) target_semaphore(%arg8 : memref<!tpu.dma_semaphore, #tpu.memory_space<semaphore_mem>>)
    %add3A_28 = arith.constant 16 : i32
    %add3A_29 = arith.addi %add3A_4, %add3A_28 : i32
    %dma_start3A_30 = arith.constant 16 : i32
    %dma_start3A_31 = arith.constant 0 : i32
    %dma_start3A_32 = tpu.memref_slice %arg5[%dma_start3A_30, %dma_start3A_31] : memref<24x4096xf32, #tpu.memory_space<vmem>> -> memref<8x4096xf32, #tpu.memory_space<vmem>>
    %dma_start3A_33 = arith.constant 0 : i32
    %dma_start3A_34 = tpu.memref_slice %arg2[%add3A_29, %dma_start3A_33] : memref<4096x4096xf32, #tpu.memory_space<hbm>> -> memref<8x4096xf32, #tpu.memory_space<hbm>>
    %dma_start3A_35 = arith.constant 16 : i32
    %dma_start3A_36 = arith.constant 0 : i32
    %dma_start3A_37 = tpu.memref_slice %arg5[%dma_start3A_35, %dma_start3A_36] : memref<24x4096xf32, #tpu.memory_space<vmem>> -> memref<8x4096xf32, #tpu.memory_space<vmem>>
    %dma_start3A_38 = arith.constant 0 : i32
    %dma_start3A_39 = tpu.memref_slice %arg2[%add3A_29, %dma_start3A_38] : memref<4096x4096xf32, #tpu.memory_space<hbm>> -> memref<8x4096xf32, #tpu.memory_space<hbm>>
    tpu.enqueue_dma source(%dma_start3A_39 : memref<8x4096xf32, #tpu.memory_space<hbm>>) target(%dma_start3A_37 : memref<8x4096xf32, #tpu.memory_space<vmem>>) target_semaphore(%arg9 : memref<!tpu.dma_semaphore, #tpu.memory_space<semaphore_mem>>)
    %iota3A = tpu.iota {dimensions = array<i32: 0>} : vector<16xi32>
    %broadcast_in_dim3A = arith.constant 0xFF800000 : f32
    %broadcast_in_dim3A_40 = vector.broadcast %broadcast_in_dim3A : f32 to vector<16xf32>
    %scan3A = arith.constant 0.000000e+00 : f32
    %scan3A_41 = arith.constant 0 : i32
    %scan3A_42 = arith.constant 4 : i32
    %scan3A_43 = arith.addi %scan3A_41, %scan3A_42 : i32
    %scan3A_44 = arith.constant 1 : i32
    %scan3A_45 = scf.for %scan3A_49 = %scan3A_41 to %scan3A_43 step %scan3A_44 iter_args(%scan3A_50 = %scan3A) -> (f32)  : i32 {
      %rem3A = arith.constant 3 : i32
      %rem3A_51 = arith.remsi %scan3A_49, %rem3A : i32
      %mul3A_52 = arith.constant 8 : i32
      %mul3A_53 = arith.muli %rem3A_51, %mul3A_52 : i32
      %mul3A_54 = arith.constant 8 : i32
      %mul3A_55 = arith.muli %scan3A_49, %mul3A_54 : i32
      %add3A_56 = arith.addi %add3A_4, %mul3A_55 : i32
      %eq3A = arith.constant 0 : i32
      %eq3A_57 = arith.cmpi eq, %rem3A_51, %eq3A : i32
      %convert_element_type3A = arith.extui %eq3A_57 : i1 to i32
      %cond3A = arith.constant 0 : i32
      %cond3A_58 = arith.cmpi ne, %convert_element_type3A, %cond3A : i32
      scf.if %cond3A_58 {
        %dma_wait3A = arith.constant 0 : i32
        %dma_wait3A_550 = arith.constant 0 : i32
        %dma_wait3A_551 = tpu.memref_slice %arg5[%dma_wait3A, %dma_wait3A_550] : memref<24x4096xf32, #tpu.memory_space<vmem>> -> memref<8x4096xf32, #tpu.memory_space<vmem>>
        %dma_wait3A_552 = arith.constant 0 : i32
        %dma_wait3A_553 = tpu.memref_slice %arg2[%add3A_56, %dma_wait3A_552] : memref<4096x4096xf32, #tpu.memory_space<hbm>> -> memref<8x4096xf32, #tpu.memory_space<hbm>>
        %dma_wait3A_554 = arith.constant 0 : i32
        %dma_wait3A_555 = arith.constant 0 : i32
        %dma_wait3A_556 = tpu.memref_slice %arg5[%dma_wait3A_554, %dma_wait3A_555] : memref<24x4096xf32, #tpu.memory_space<vmem>> -> memref<8x4096xf32, #tpu.memory_space<vmem>>
        %dma_wait3A_557 = arith.constant 0 : i32
        %dma_wait3A_558 = tpu.memref_slice %arg2[%add3A_56, %dma_wait3A_557] : memref<4096x4096xf32, #tpu.memory_space<hbm>> -> memref<8x4096xf32, #tpu.memory_space<hbm>>
        tpu.wait_dma2 semaphore(%arg7 : memref<!tpu.dma_semaphore, #tpu.memory_space<semaphore_mem>>) src(%dma_wait3A_558 : memref<8x4096xf32, #tpu.memory_space<hbm>>) dst(%dma_wait3A_556 : memref<8x4096xf32, #tpu.memory_space<vmem>>)
      } else {
      }
      %eq3A_59 = arith.constant 1 : i32
      %eq3A_60 = arith.cmpi eq, %rem3A_51, %eq3A_59 : i32
      %convert_element_type3A_61 = arith.extui %eq3A_60 : i1 to i32
      %cond3A_62 = arith.constant 0 : i32
      %cond3A_63 = arith.cmpi ne, %convert_element_type3A_61, %cond3A_62 : i32
      scf.if %cond3A_63 {
        %dma_wait3A = arith.constant 8 : i32
        %dma_wait3A_550 = arith.constant 0 : i32
        %dma_wait3A_551 = tpu.memref_slice %arg5[%dma_wait3A, %dma_wait3A_550] : memref<24x4096xf32, #tpu.memory_space<vmem>> -> memref<8x4096xf32, #tpu.memory_space<vmem>>
        %dma_wait3A_552 = arith.constant 0 : i32
        %dma_wait3A_553 = tpu.memref_slice %arg2[%add3A_56, %dma_wait3A_552] : memref<4096x4096xf32, #tpu.memory_space<hbm>> -> memref<8x4096xf32, #tpu.memory_space<hbm>>
        %dma_wait3A_554 = arith.constant 8 : i32
        %dma_wait3A_555 = arith.constant 0 : i32
        %dma_wait3A_556 = tpu.memref_slice %arg5[%dma_wait3A_554, %dma_wait3A_555] : memref<24x4096xf32, #tpu.memory_space<vmem>> -> memref<8x4096xf32, #tpu.memory_space<vmem>>
        %dma_wait3A_557 = arith.constant 0 : i32
        %dma_wait3A_558 = tpu.memref_slice %arg2[%add3A_56, %dma_wait3A_557] : memref<4096x4096xf32, #tpu.memory_space<hbm>> -> memref<8x4096xf32, #tpu.memory_space<hbm>>
        tpu.wait_dma2 semaphore(%arg8 : memref<!tpu.dma_semaphore, #tpu.memory_space<semaphore_mem>>) src(%dma_wait3A_558 : memref<8x4096xf32, #tpu.memory_space<hbm>>) dst(%dma_wait3A_556 : memref<8x4096xf32, #tpu.memory_space<vmem>>)
      } else {
      }
      %eq3A_64 = arith.constant 2 : i32
      %eq3A_65 = arith.cmpi eq, %rem3A_51, %eq3A_64 : i32
      %convert_element_type3A_66 = arith.extui %eq3A_65 : i1 to i32
      %cond3A_67 = arith.constant 0 : i32
      %cond3A_68 = arith.cmpi ne, %convert_element_type3A_66, %cond3A_67 : i32
      scf.if %cond3A_68 {
        %dma_wait3A = arith.constant 16 : i32
        %dma_wait3A_550 = arith.constant 0 : i32
        %dma_wait3A_551 = tpu.memref_slice %arg5[%dma_wait3A, %dma_wait3A_550] : memref<24x4096xf32, #tpu.memory_space<vmem>> -> memref<8x4096xf32, #tpu.memory_space<vmem>>
        %dma_wait3A_552 = arith.constant 0 : i32
        %dma_wait3A_553 = tpu.memref_slice %arg2[%add3A_56, %dma_wait3A_552] : memref<4096x4096xf32, #tpu.memory_space<hbm>> -> memref<8x4096xf32, #tpu.memory_space<hbm>>
        %dma_wait3A_554 = arith.constant 16 : i32
        %dma_wait3A_555 = arith.constant 0 : i32
        %dma_wait3A_556 = tpu.memref_slice %arg5[%dma_wait3A_554, %dma_wait3A_555] : memref<24x4096xf32, #tpu.memory_space<vmem>> -> memref<8x4096xf32, #tpu.memory_space<vmem>>
        %dma_wait3A_557 = arith.constant 0 : i32
        %dma_wait3A_558 = tpu.memref_slice %arg2[%add3A_56, %dma_wait3A_557] : memref<4096x4096xf32, #tpu.memory_space<hbm>> -> memref<8x4096xf32, #tpu.memory_space<hbm>>
        tpu.wait_dma2 semaphore(%arg9 : memref<!tpu.dma_semaphore, #tpu.memory_space<semaphore_mem>>) src(%dma_wait3A_558 : memref<8x4096xf32, #tpu.memory_space<hbm>>) dst(%dma_wait3A_556 : memref<8x4096xf32, #tpu.memory_space<vmem>>)
      } else {
      }
      %add3A_69 = arith.constant 0 : i32
      %add3A_70 = arith.addi %add3A_56, %add3A_69 : i32
      %jit3A = arith.constant 16 : i32
      %div3A = arith.divsi %add3A_70, %jit3A : i32
      %sign3A = arith.constant 0 : i32
      %sign3A_71 = arith.cmpi sgt, %add3A_70, %sign3A : i32
      %sign3A_72 = arith.extui %sign3A_71 : i1 to i32
      %sign3A_73 = arith.constant 0 : i32
      %sign3A_74 = arith.cmpi slt, %add3A_70, %sign3A_73 : i32
      %sign3A_75 = arith.extui %sign3A_74 : i1 to i32
      %sign3A_76 = arith.subi %sign3A_72, %sign3A_75 : i32
      %sign3A_77 = arith.constant 0 : i32
      %sign3A_78 = arith.cmpi sgt, %jit3A, %sign3A_77 : i32
      %sign3A_79 = arith.extui %sign3A_78 : i1 to i32
      %sign3A_80 = arith.constant 0 : i32
      %sign3A_81 = arith.cmpi slt, %jit3A, %sign3A_80 : i32
      %sign3A_82 = arith.extui %sign3A_81 : i1 to i32
      %sign3A_83 = arith.subi %sign3A_79, %sign3A_82 : i32
      %ne3A = arith.cmpi ne, %sign3A_76, %sign3A_83 : i32
      %rem3A_84 = arith.remsi %add3A_70, %jit3A : i32
      %ne3A_85 = arith.constant 0 : i32
      %ne3A_86 = arith.cmpi ne, %rem3A_84, %ne3A_85 : i32
      %and3A = arith.andi %ne3A, %ne3A_86 : i1
      %sub3A = arith.constant 1 : i32
      %sub3A_87 = arith.subi %div3A, %sub3A : i32
      %select_n3A = arith.select %and3A, %sub3A_87, %div3A : i32
      %mul3A_88 = arith.constant 16 : i32
      %mul3A_89 = arith.muli %select_n3A, %mul3A_88 : i32
      %sub3A_90 = arith.subi %add3A_70, %mul3A_89 : i32
      %add3A_91 = arith.constant 0 : i32
      %add3A_92 = arith.addi %mul3A_53, %add3A_91 : i32
      %get3A = arith.index_cast %add3A_92 : i32 to index
      %get3A_93 = arith.index_cast %mul3A_89 : i32 to index
      %get3A_94 = tpu.vector_load %arg5[%get3A, %get3A_93] {strides = array<i32>} : memref<24x4096xf32, #tpu.memory_space<vmem>>, vector<16xf32>,
      %eq3A_95 = vector.broadcast %sub3A_90 : i32 to vector<16xi32>
      %eq3A_96 = arith.cmpi eq, %iota3A, %eq3A_95 : vector<16xi32>
      %select_n3A_97 = arith.select %eq3A_96, %get3A_94, %broadcast_in_dim3A_40 : vector<16xi1>, vector<16xf32>
      %reduce_max3A = arith.constant true
      %reduce_max3A_98 = vector.broadcast %reduce_max3A : i1 to vector<16xi1>
      %reduce_max3A_99 = tpu.scan <max>, %select_n3A_97 masked %reduce_max3A_98 : vector<16xf32>, vector<16xi1> -> vector<16xf32>
      %reduce_max3A_100 = vector.extract %reduce_max3A_99[15] : f32 from vector<16xf32>
      %select_n3A_101 = arith.select %eq3A_96, %broadcast_in_dim3A_40, %get3A_94 : vector<16xi1>, vector<16xf32>
      %add3A_102 = arith.constant 0 : i32
      %add3A_103 = arith.addi %mul3A_53, %add3A_102 : i32
      %swap3A_104 = arith.index_cast %add3A_103 : i32 to index
      %swap3A_105 = arith.index_cast %mul3A_89 : i32 to index
      %swap3A_106 = tpu.vector_load %arg5[%swap3A_104, %swap3A_105] {strides = array<i32>} : memref<24x4096xf32, #tpu.memory_space<vmem>>, vector<16xf32>,
      tpu.vector_store %arg5[%swap3A_104, %swap3A_105], %select_n3A_101 {strides = array<i32>} : memref<24x4096xf32, #tpu.memory_space<vmem>>, vector<16xf32>,
      %add3A_107 = arith.constant 1 : i32
      %add3A_108 = arith.addi %add3A_56, %add3A_107 : i32
      %jit3A_109 = arith.constant 16 : i32
      %div3A_110 = arith.divsi %add3A_108, %jit3A_109 : i32
      %sign3A_111 = arith.constant 0 : i32
      %sign3A_112 = arith.cmpi sgt, %add3A_108, %sign3A_111 : i32
      %sign3A_113 = arith.extui %sign3A_112 : i1 to i32
      %sign3A_114 = arith.constant 0 : i32
      %sign3A_115 = arith.cmpi slt, %add3A_108, %sign3A_114 : i32
      %sign3A_116 = arith.extui %sign3A_115 : i1 to i32
      %sign3A_117 = arith.subi %sign3A_113, %sign3A_116 : i32
      %sign3A_118 = arith.constant 0 : i32
      %sign3A_119 = arith.cmpi sgt, %jit3A_109, %sign3A_118 : i32
      %sign3A_120 = arith.extui %sign3A_119 : i1 to i32
      %sign3A_121 = arith.constant 0 : i32
      %sign3A_122 = arith.cmpi slt, %jit3A_109, %sign3A_121 : i32
      %sign3A_123 = arith.extui %sign3A_122 : i1 to i32
      %sign3A_124 = arith.subi %sign3A_120, %sign3A_123 : i32
      %ne3A_125 = arith.cmpi ne, %sign3A_117, %sign3A_124 : i32
      %rem3A_126 = arith.remsi %add3A_108, %jit3A_109 : i32
      %ne3A_127 = arith.constant 0 : i32
      %ne3A_128 = arith.cmpi ne, %rem3A_126, %ne3A_127 : i32
      %and3A_129 = arith.andi %ne3A_125, %ne3A_128 : i1
      %sub3A_130 = arith.constant 1 : i32
      %sub3A_131 = arith.subi %div3A_110, %sub3A_130 : i32
      %select_n3A_132 = arith.select %and3A_129, %sub3A_131, %div3A_110 : i32
      %mul3A_133 = arith.constant 16 : i32
      %mul3A_134 = arith.muli %select_n3A_132, %mul3A_133 : i32
      %sub3A_135 = arith.subi %add3A_108, %mul3A_134 : i32
      %add3A_136 = arith.constant 1 : i32
      %add3A_137 = arith.addi %mul3A_53, %add3A_136 : i32
      %get3A_138 = arith.index_cast %add3A_137 : i32 to index
      %get3A_139 = arith.index_cast %mul3A_134 : i32 to index
      %get3A_140 = tpu.vector_load %arg5[%get3A_138, %get3A_139] {strides = array<i32>} : memref<24x4096xf32, #tpu.memory_space<vmem>>, vector<16xf32>,
      %eq3A_141 = vector.broadcast %sub3A_135 : i32 to vector<16xi32>
      %eq3A_142 = arith.cmpi eq, %iota3A, %eq3A_141 : vector<16xi32>
      %select_n3A_143 = arith.select %eq3A_142, %get3A_140, %broadcast_in_dim3A_40 : vector<16xi1>, vector<16xf32>
      %reduce_max3A_144 = arith.constant true
      %reduce_max3A_145 = vector.broadcast %reduce_max3A_144 : i1 to vector<16xi1>
      %reduce_max3A_146 = tpu.scan <max>, %select_n3A_143 masked %reduce_max3A_145 : vector<16xf32>, vector<16xi1> -> vector<16xf32>
      %reduce_max3A_147 = vector.extract %reduce_max3A_146[15] : f32 from vector<16xf32>
      %select_n3A_148 = arith.select %eq3A_142, %broadcast_in_dim3A_40, %get3A_140 : vector<16xi1>, vector<16xf32>
      %add3A_149 = arith.constant 1 : i32
      %add3A_150 = arith.addi %mul3A_53, %add3A_149 : i32
      %swap3A_151 = arith.index_cast %add3A_150 : i32 to index
      %swap3A_152 = arith.index_cast %mul3A_134 : i32 to index
      %swap3A_153 = tpu.vector_load %arg5[%swap3A_151, %swap3A_152] {strides = array<i32>} : memref<24x4096xf32, #tpu.memory_space<vmem>>, vector<16xf32>,
      tpu.vector_store %arg5[%swap3A_151, %swap3A_152], %select_n3A_148 {strides = array<i32>} : memref<24x4096xf32, #tpu.memory_space<vmem>>, vector<16xf32>,
      %add3A_154 = arith.constant 2 : i32
      %add3A_155 = arith.addi %add3A_56, %add3A_154 : i32
      %jit3A_156 = arith.constant 16 : i32
      %div3A_157 = arith.divsi %add3A_155, %jit3A_156 : i32
      %sign3A_158 = arith.constant 0 : i32
      %sign3A_159 = arith.cmpi sgt, %add3A_155, %sign3A_158 : i32
      %sign3A_160 = arith.extui %sign3A_159 : i1 to i32
      %sign3A_161 = arith.constant 0 : i32
      %sign3A_162 = arith.cmpi slt, %add3A_155, %sign3A_161 : i32
      %sign3A_163 = arith.extui %sign3A_162 : i1 to i32
      %sign3A_164 = arith.subi %sign3A_160, %sign3A_163 : i32
      %sign3A_165 = arith.constant 0 : i32
      %sign3A_166 = arith.cmpi sgt, %jit3A_156, %sign3A_165 : i32
      %sign3A_167 = arith.extui %sign3A_166 : i1 to i32
      %sign3A_168 = arith.constant 0 : i32
      %sign3A_169 = arith.cmpi slt, %jit3A_156, %sign3A_168 : i32
      %sign3A_170 = arith.extui %sign3A_169 : i1 to i32
      %sign3A_171 = arith.subi %sign3A_167, %sign3A_170 : i32
      %ne3A_172 = arith.cmpi ne, %sign3A_164, %sign3A_171 : i32
      %rem3A_173 = arith.remsi %add3A_155, %jit3A_156 : i32
      %ne3A_174 = arith.constant 0 : i32
      %ne3A_175 = arith.cmpi ne, %rem3A_173, %ne3A_174 : i32
      %and3A_176 = arith.andi %ne3A_172, %ne3A_175 : i1
      %sub3A_177 = arith.constant 1 : i32
      %sub3A_178 = arith.subi %div3A_157, %sub3A_177 : i32
      %select_n3A_179 = arith.select %and3A_176, %sub3A_178, %div3A_157 : i32
      %mul3A_180 = arith.constant 16 : i32
      %mul3A_181 = arith.muli %select_n3A_179, %mul3A_180 : i32
      %sub3A_182 = arith.subi %add3A_155, %mul3A_181 : i32
      %add3A_183 = arith.constant 2 : i32
      %add3A_184 = arith.addi %mul3A_53, %add3A_183 : i32
      %get3A_185 = arith.index_cast %add3A_184 : i32 to index
      %get3A_186 = arith.index_cast %mul3A_181 : i32 to index
      %get3A_187 = tpu.vector_load %arg5[%get3A_185, %get3A_186] {strides = array<i32>} : memref<24x4096xf32, #tpu.memory_space<vmem>>, vector<16xf32>,
      %eq3A_188 = vector.broadcast %sub3A_182 : i32 to vector<16xi32>
      %eq3A_189 = arith.cmpi eq, %iota3A, %eq3A_188 : vector<16xi32>
      %select_n3A_190 = arith.select %eq3A_189, %get3A_187, %broadcast_in_dim3A_40 : vector<16xi1>, vector<16xf32>
      %reduce_max3A_191 = arith.constant true
      %reduce_max3A_192 = vector.broadcast %reduce_max3A_191 : i1 to vector<16xi1>
      %reduce_max3A_193 = tpu.scan <max>, %select_n3A_190 masked %reduce_max3A_192 : vector<16xf32>, vector<16xi1> -> vector<16xf32>
      %reduce_max3A_194 = vector.extract %reduce_max3A_193[15] : f32 from vector<16xf32>
      %select_n3A_195 = arith.select %eq3A_189, %broadcast_in_dim3A_40, %get3A_187 : vector<16xi1>, vector<16xf32>
      %add3A_196 = arith.constant 2 : i32
      %add3A_197 = arith.addi %mul3A_53, %add3A_196 : i32
      %swap3A_198 = arith.index_cast %add3A_197 : i32 to index
      %swap3A_199 = arith.index_cast %mul3A_181 : i32 to index
      %swap3A_200 = tpu.vector_load %arg5[%swap3A_198, %swap3A_199] {strides = array<i32>} : memref<24x4096xf32, #tpu.memory_space<vmem>>, vector<16xf32>,
      tpu.vector_store %arg5[%swap3A_198, %swap3A_199], %select_n3A_195 {strides = array<i32>} : memref<24x4096xf32, #tpu.memory_space<vmem>>, vector<16xf32>,
      %add3A_201 = arith.constant 3 : i32
      %add3A_202 = arith.addi %add3A_56, %add3A_201 : i32
      %jit3A_203 = arith.constant 16 : i32
      %div3A_204 = arith.divsi %add3A_202, %jit3A_203 : i32
      %sign3A_205 = arith.constant 0 : i32
      %sign3A_206 = arith.cmpi sgt, %add3A_202, %sign3A_205 : i32
      %sign3A_207 = arith.extui %sign3A_206 : i1 to i32
      %sign3A_208 = arith.constant 0 : i32
      %sign3A_209 = arith.cmpi slt, %add3A_202, %sign3A_208 : i32
      %sign3A_210 = arith.extui %sign3A_209 : i1 to i32
      %sign3A_211 = arith.subi %sign3A_207, %sign3A_210 : i32
      %sign3A_212 = arith.constant 0 : i32
      %sign3A_213 = arith.cmpi sgt, %jit3A_203, %sign3A_212 : i32
      %sign3A_214 = arith.extui %sign3A_213 : i1 to i32
      %sign3A_215 = arith.constant 0 : i32
      %sign3A_216 = arith.cmpi slt, %jit3A_203, %sign3A_215 : i32
      %sign3A_217 = arith.extui %sign3A_216 : i1 to i32
      %sign3A_218 = arith.subi %sign3A_214, %sign3A_217 : i32
      %ne3A_219 = arith.cmpi ne, %sign3A_211, %sign3A_218 : i32
      %rem3A_220 = arith.remsi %add3A_202, %jit3A_203 : i32
      %ne3A_221 = arith.constant 0 : i32
      %ne3A_222 = arith.cmpi ne, %rem3A_220, %ne3A_221 : i32
      %and3A_223 = arith.andi %ne3A_219, %ne3A_222 : i1
      %sub3A_224 = arith.constant 1 : i32
      %sub3A_225 = arith.subi %div3A_204, %sub3A_224 : i32
      %select_n3A_226 = arith.select %and3A_223, %sub3A_225, %div3A_204 : i32
      %mul3A_227 = arith.constant 16 : i32
      %mul3A_228 = arith.muli %select_n3A_226, %mul3A_227 : i32
      %sub3A_229 = arith.subi %add3A_202, %mul3A_228 : i32
      %add3A_230 = arith.constant 3 : i32
      %add3A_231 = arith.addi %mul3A_53, %add3A_230 : i32
      %get3A_232 = arith.index_cast %add3A_231 : i32 to index
      %get3A_233 = arith.index_cast %mul3A_228 : i32 to index
      %get3A_234 = tpu.vector_load %arg5[%get3A_232, %get3A_233] {strides = array<i32>} : memref<24x4096xf32, #tpu.memory_space<vmem>>, vector<16xf32>,
      %eq3A_235 = vector.broadcast %sub3A_229 : i32 to vector<16xi32>
      %eq3A_236 = arith.cmpi eq, %iota3A, %eq3A_235 : vector<16xi32>
      %select_n3A_237 = arith.select %eq3A_236, %get3A_234, %broadcast_in_dim3A_40 : vector<16xi1>, vector<16xf32>
      %reduce_max3A_238 = arith.constant true
      %reduce_max3A_239 = vector.broadcast %reduce_max3A_238 : i1 to vector<16xi1>
      %reduce_max3A_240 = tpu.scan <max>, %select_n3A_237 masked %reduce_max3A_239 : vector<16xf32>, vector<16xi1> -> vector<16xf32>
      %reduce_max3A_241 = vector.extract %reduce_max3A_240[15] : f32 from vector<16xf32>
      %select_n3A_242 = arith.select %eq3A_236, %broadcast_in_dim3A_40, %get3A_234 : vector<16xi1>, vector<16xf32>
      %add3A_243 = arith.constant 3 : i32
      %add3A_244 = arith.addi %mul3A_53, %add3A_243 : i32
      %swap3A_245 = arith.index_cast %add3A_244 : i32 to index
      %swap3A_246 = arith.index_cast %mul3A_228 : i32 to index
      %swap3A_247 = tpu.vector_load %arg5[%swap3A_245, %swap3A_246] {strides = array<i32>} : memref<24x4096xf32, #tpu.memory_space<vmem>>, vector<16xf32>,
      tpu.vector_store %arg5[%swap3A_245, %swap3A_246], %select_n3A_242 {strides = array<i32>} : memref<24x4096xf32, #tpu.memory_space<vmem>>, vector<16xf32>,
      %add3A_248 = arith.constant 4 : i32
      %add3A_249 = arith.addi %add3A_56, %add3A_248 : i32
      %jit3A_250 = arith.constant 16 : i32
      %div3A_251 = arith.divsi %add3A_249, %jit3A_250 : i32
      %sign3A_252 = arith.constant 0 : i32
      %sign3A_253 = arith.cmpi sgt, %add3A_249, %sign3A_252 : i32
      %sign3A_254 = arith.extui %sign3A_253 : i1 to i32
      %sign3A_255 = arith.constant 0 : i32
      %sign3A_256 = arith.cmpi slt, %add3A_249, %sign3A_255 : i32
      %sign3A_257 = arith.extui %sign3A_256 : i1 to i32
      %sign3A_258 = arith.subi %sign3A_254, %sign3A_257 : i32
      %sign3A_259 = arith.constant 0 : i32
      %sign3A_260 = arith.cmpi sgt, %jit3A_250, %sign3A_259 : i32
      %sign3A_261 = arith.extui %sign3A_260 : i1 to i32
      %sign3A_262 = arith.constant 0 : i32
      %sign3A_263 = arith.cmpi slt, %jit3A_250, %sign3A_262 : i32
      %sign3A_264 = arith.extui %sign3A_263 : i1 to i32
      %sign3A_265 = arith.subi %sign3A_261, %sign3A_264 : i32
      %ne3A_266 = arith.cmpi ne, %sign3A_258, %sign3A_265 : i32
      %rem3A_267 = arith.remsi %add3A_249, %jit3A_250 : i32
      %ne3A_268 = arith.constant 0 : i32
      %ne3A_269 = arith.cmpi ne, %rem3A_267, %ne3A_268 : i32
      %and3A_270 = arith.andi %ne3A_266, %ne3A_269 : i1
      %sub3A_271 = arith.constant 1 : i32
      %sub3A_272 = arith.subi %div3A_251, %sub3A_271 : i32
      %select_n3A_273 = arith.select %and3A_270, %sub3A_272, %div3A_251 : i32
      %mul3A_274 = arith.constant 16 : i32
      %mul3A_275 = arith.muli %select_n3A_273, %mul3A_274 : i32
      %sub3A_276 = arith.subi %add3A_249, %mul3A_275 : i32
      %add3A_277 = arith.constant 4 : i32
      %add3A_278 = arith.addi %mul3A_53, %add3A_277 : i32
      %get3A_279 = arith.index_cast %add3A_278 : i32 to index
      %get3A_280 = arith.index_cast %mul3A_275 : i32 to index
      %get3A_281 = tpu.vector_load %arg5[%get3A_279, %get3A_280] {strides = array<i32>} : memref<24x4096xf32, #tpu.memory_space<vmem>>, vector<16xf32>,
      %eq3A_282 = vector.broadcast %sub3A_276 : i32 to vector<16xi32>
      %eq3A_283 = arith.cmpi eq, %iota3A, %eq3A_282 : vector<16xi32>
      %select_n3A_284 = arith.select %eq3A_283, %get3A_281, %broadcast_in_dim3A_40 : vector<16xi1>, vector<16xf32>
      %reduce_max3A_285 = arith.constant true
      %reduce_max3A_286 = vector.broadcast %reduce_max3A_285 : i1 to vector<16xi1>
      %reduce_max3A_287 = tpu.scan <max>, %select_n3A_284 masked %reduce_max3A_286 : vector<16xf32>, vector<16xi1> -> vector<16xf32>
      %reduce_max3A_288 = vector.extract %reduce_max3A_287[15] : f32 from vector<16xf32>
      %select_n3A_289 = arith.select %eq3A_283, %broadcast_in_dim3A_40, %get3A_281 : vector<16xi1>, vector<16xf32>
      %add3A_290 = arith.constant 4 : i32
      %add3A_291 = arith.addi %mul3A_53, %add3A_290 : i32
      %swap3A_292 = arith.index_cast %add3A_291 : i32 to index
      %swap3A_293 = arith.index_cast %mul3A_275 : i32 to index
      %swap3A_294 = tpu.vector_load %arg5[%swap3A_292, %swap3A_293] {strides = array<i32>} : memref<24x4096xf32, #tpu.memory_space<vmem>>, vector<16xf32>,
      tpu.vector_store %arg5[%swap3A_292, %swap3A_293], %select_n3A_289 {strides = array<i32>} : memref<24x4096xf32, #tpu.memory_space<vmem>>, vector<16xf32>,
      %add3A_295 = arith.constant 5 : i32
      %add3A_296 = arith.addi %add3A_56, %add3A_295 : i32
      %jit3A_297 = arith.constant 16 : i32
      %div3A_298 = arith.divsi %add3A_296, %jit3A_297 : i32
      %sign3A_299 = arith.constant 0 : i32
      %sign3A_300 = arith.cmpi sgt, %add3A_296, %sign3A_299 : i32
      %sign3A_301 = arith.extui %sign3A_300 : i1 to i32
      %sign3A_302 = arith.constant 0 : i32
      %sign3A_303 = arith.cmpi slt, %add3A_296, %sign3A_302 : i32
      %sign3A_304 = arith.extui %sign3A_303 : i1 to i32
      %sign3A_305 = arith.subi %sign3A_301, %sign3A_304 : i32
      %sign3A_306 = arith.constant 0 : i32
      %sign3A_307 = arith.cmpi sgt, %jit3A_297, %sign3A_306 : i32
      %sign3A_308 = arith.extui %sign3A_307 : i1 to i32
      %sign3A_309 = arith.constant 0 : i32
      %sign3A_310 = arith.cmpi slt, %jit3A_297, %sign3A_309 : i32
      %sign3A_311 = arith.extui %sign3A_310 : i1 to i32
      %sign3A_312 = arith.subi %sign3A_308, %sign3A_311 : i32
      %ne3A_313 = arith.cmpi ne, %sign3A_305, %sign3A_312 : i32
      %rem3A_314 = arith.remsi %add3A_296, %jit3A_297 : i32
      %ne3A_315 = arith.constant 0 : i32
      %ne3A_316 = arith.cmpi ne, %rem3A_314, %ne3A_315 : i32
      %and3A_317 = arith.andi %ne3A_313, %ne3A_316 : i1
      %sub3A_318 = arith.constant 1 : i32
      %sub3A_319 = arith.subi %div3A_298, %sub3A_318 : i32
      %select_n3A_320 = arith.select %and3A_317, %sub3A_319, %div3A_298 : i32
      %mul3A_321 = arith.constant 16 : i32
      %mul3A_322 = arith.muli %select_n3A_320, %mul3A_321 : i32
      %sub3A_323 = arith.subi %add3A_296, %mul3A_322 : i32
      %add3A_324 = arith.constant 5 : i32
      %add3A_325 = arith.addi %mul3A_53, %add3A_324 : i32
      %get3A_326 = arith.index_cast %add3A_325 : i32 to index
      %get3A_327 = arith.index_cast %mul3A_322 : i32 to index
      %get3A_328 = tpu.vector_load %arg5[%get3A_326, %get3A_327] {strides = array<i32>} : memref<24x4096xf32, #tpu.memory_space<vmem>>, vector<16xf32>,
      %eq3A_329 = vector.broadcast %sub3A_323 : i32 to vector<16xi32>
      %eq3A_330 = arith.cmpi eq, %iota3A, %eq3A_329 : vector<16xi32>
      %select_n3A_331 = arith.select %eq3A_330, %get3A_328, %broadcast_in_dim3A_40 : vector<16xi1>, vector<16xf32>
      %reduce_max3A_332 = arith.constant true
      %reduce_max3A_333 = vector.broadcast %reduce_max3A_332 : i1 to vector<16xi1>
      %reduce_max3A_334 = tpu.scan <max>, %select_n3A_331 masked %reduce_max3A_333 : vector<16xf32>, vector<16xi1> -> vector<16xf32>
      %reduce_max3A_335 = vector.extract %reduce_max3A_334[15] : f32 from vector<16xf32>
      %select_n3A_336 = arith.select %eq3A_330, %broadcast_in_dim3A_40, %get3A_328 : vector<16xi1>, vector<16xf32>
      %add3A_337 = arith.constant 5 : i32
      %add3A_338 = arith.addi %mul3A_53, %add3A_337 : i32
      %swap3A_339 = arith.index_cast %add3A_338 : i32 to index
      %swap3A_340 = arith.index_cast %mul3A_322 : i32 to index
      %swap3A_341 = tpu.vector_load %arg5[%swap3A_339, %swap3A_340] {strides = array<i32>} : memref<24x4096xf32, #tpu.memory_space<vmem>>, vector<16xf32>,
      tpu.vector_store %arg5[%swap3A_339, %swap3A_340], %select_n3A_336 {strides = array<i32>} : memref<24x4096xf32, #tpu.memory_space<vmem>>, vector<16xf32>,
      %add3A_342 = arith.constant 6 : i32
      %add3A_343 = arith.addi %add3A_56, %add3A_342 : i32
      %jit3A_344 = arith.constant 16 : i32
      %div3A_345 = arith.divsi %add3A_343, %jit3A_344 : i32
      %sign3A_346 = arith.constant 0 : i32
      %sign3A_347 = arith.cmpi sgt, %add3A_343, %sign3A_346 : i32
      %sign3A_348 = arith.extui %sign3A_347 : i1 to i32
      %sign3A_349 = arith.constant 0 : i32
      %sign3A_350 = arith.cmpi slt, %add3A_343, %sign3A_349 : i32
      %sign3A_351 = arith.extui %sign3A_350 : i1 to i32
      %sign3A_352 = arith.subi %sign3A_348, %sign3A_351 : i32
      %sign3A_353 = arith.constant 0 : i32
      %sign3A_354 = arith.cmpi sgt, %jit3A_344, %sign3A_353 : i32
      %sign3A_355 = arith.extui %sign3A_354 : i1 to i32
      %sign3A_356 = arith.constant 0 : i32
      %sign3A_357 = arith.cmpi slt, %jit3A_344, %sign3A_356 : i32
      %sign3A_358 = arith.extui %sign3A_357 : i1 to i32
      %sign3A_359 = arith.subi %sign3A_355, %sign3A_358 : i32
      %ne3A_360 = arith.cmpi ne, %sign3A_352, %sign3A_359 : i32
      %rem3A_361 = arith.remsi %add3A_343, %jit3A_344 : i32
      %ne3A_362 = arith.constant 0 : i32
      %ne3A_363 = arith.cmpi ne, %rem3A_361, %ne3A_362 : i32
      %and3A_364 = arith.andi %ne3A_360, %ne3A_363 : i1
      %sub3A_365 = arith.constant 1 : i32
      %sub3A_366 = arith.subi %div3A_345, %sub3A_365 : i32
      %select_n3A_367 = arith.select %and3A_364, %sub3A_366, %div3A_345 : i32
      %mul3A_368 = arith.constant 16 : i32
      %mul3A_369 = arith.muli %select_n3A_367, %mul3A_368 : i32
      %sub3A_370 = arith.subi %add3A_343, %mul3A_369 : i32
      %add3A_371 = arith.constant 6 : i32
      %add3A_372 = arith.addi %mul3A_53, %add3A_371 : i32
      %get3A_373 = arith.index_cast %add3A_372 : i32 to index
      %get3A_374 = arith.index_cast %mul3A_369 : i32 to index
      %get3A_375 = tpu.vector_load %arg5[%get3A_373, %get3A_374] {strides = array<i32>} : memref<24x4096xf32, #tpu.memory_space<vmem>>, vector<16xf32>,
      %eq3A_376 = vector.broadcast %sub3A_370 : i32 to vector<16xi32>
      %eq3A_377 = arith.cmpi eq, %iota3A, %eq3A_376 : vector<16xi32>
      %select_n3A_378 = arith.select %eq3A_377, %get3A_375, %broadcast_in_dim3A_40 : vector<16xi1>, vector<16xf32>
      %reduce_max3A_379 = arith.constant true
      %reduce_max3A_380 = vector.broadcast %reduce_max3A_379 : i1 to vector<16xi1>
      %reduce_max3A_381 = tpu.scan <max>, %select_n3A_378 masked %reduce_max3A_380 : vector<16xf32>, vector<16xi1> -> vector<16xf32>
      %reduce_max3A_382 = vector.extract %reduce_max3A_381[15] : f32 from vector<16xf32>
      %select_n3A_383 = arith.select %eq3A_377, %broadcast_in_dim3A_40, %get3A_375 : vector<16xi1>, vector<16xf32>
      %add3A_384 = arith.constant 6 : i32
      %add3A_385 = arith.addi %mul3A_53, %add3A_384 : i32
      %swap3A_386 = arith.index_cast %add3A_385 : i32 to index
      %swap3A_387 = arith.index_cast %mul3A_369 : i32 to index
      %swap3A_388 = tpu.vector_load %arg5[%swap3A_386, %swap3A_387] {strides = array<i32>} : memref<24x4096xf32, #tpu.memory_space<vmem>>, vector<16xf32>,
      tpu.vector_store %arg5[%swap3A_386, %swap3A_387], %select_n3A_383 {strides = array<i32>} : memref<24x4096xf32, #tpu.memory_space<vmem>>, vector<16xf32>,
      %add3A_389 = arith.constant 7 : i32
      %add3A_390 = arith.addi %add3A_56, %add3A_389 : i32
      %jit3A_391 = arith.constant 16 : i32
      %div3A_392 = arith.divsi %add3A_390, %jit3A_391 : i32
      %sign3A_393 = arith.constant 0 : i32
      %sign3A_394 = arith.cmpi sgt, %add3A_390, %sign3A_393 : i32
      %sign3A_395 = arith.extui %sign3A_394 : i1 to i32
      %sign3A_396 = arith.constant 0 : i32
      %sign3A_397 = arith.cmpi slt, %add3A_390, %sign3A_396 : i32
      %sign3A_398 = arith.extui %sign3A_397 : i1 to i32
      %sign3A_399 = arith.subi %sign3A_395, %sign3A_398 : i32
      %sign3A_400 = arith.constant 0 : i32
      %sign3A_401 = arith.cmpi sgt, %jit3A_391, %sign3A_400 : i32
      %sign3A_402 = arith.extui %sign3A_401 : i1 to i32
      %sign3A_403 = arith.constant 0 : i32
      %sign3A_404 = arith.cmpi slt, %jit3A_391, %sign3A_403 : i32
      %sign3A_405 = arith.extui %sign3A_404 : i1 to i32
      %sign3A_406 = arith.subi %sign3A_402, %sign3A_405 : i32
      %ne3A_407 = arith.cmpi ne, %sign3A_399, %sign3A_406 : i32
      %rem3A_408 = arith.remsi %add3A_390, %jit3A_391 : i32
      %ne3A_409 = arith.constant 0 : i32
      %ne3A_410 = arith.cmpi ne, %rem3A_408, %ne3A_409 : i32
      %and3A_411 = arith.andi %ne3A_407, %ne3A_410 : i1
      %sub3A_412 = arith.constant 1 : i32
      %sub3A_413 = arith.subi %div3A_392, %sub3A_412 : i32
      %select_n3A_414 = arith.select %and3A_411, %sub3A_413, %div3A_392 : i32
      %mul3A_415 = arith.constant 16 : i32
      %mul3A_416 = arith.muli %select_n3A_414, %mul3A_415 : i32
      %sub3A_417 = arith.subi %add3A_390, %mul3A_416 : i32
      %add3A_418 = arith.constant 7 : i32
      %add3A_419 = arith.addi %mul3A_53, %add3A_418 : i32
      %get3A_420 = arith.index_cast %add3A_419 : i32 to index
      %get3A_421 = arith.index_cast %mul3A_416 : i32 to index
      %get3A_422 = tpu.vector_load %arg5[%get3A_420, %get3A_421] {strides = array<i32>} : memref<24x4096xf32, #tpu.memory_space<vmem>>, vector<16xf32>,
      %eq3A_423 = vector.broadcast %sub3A_417 : i32 to vector<16xi32>
      %eq3A_424 = arith.cmpi eq, %iota3A, %eq3A_423 : vector<16xi32>
      %select_n3A_425 = arith.select %eq3A_424, %get3A_422, %broadcast_in_dim3A_40 : vector<16xi1>, vector<16xf32>
      %reduce_max3A_426 = arith.constant true
      %reduce_max3A_427 = vector.broadcast %reduce_max3A_426 : i1 to vector<16xi1>
      %reduce_max3A_428 = tpu.scan <max>, %select_n3A_425 masked %reduce_max3A_427 : vector<16xf32>, vector<16xi1> -> vector<16xf32>
      %reduce_max3A_429 = vector.extract %reduce_max3A_428[15] : f32 from vector<16xf32>
      %select_n3A_430 = arith.select %eq3A_424, %broadcast_in_dim3A_40, %get3A_422 : vector<16xi1>, vector<16xf32>
      %add3A_431 = arith.constant 7 : i32
      %add3A_432 = arith.addi %mul3A_53, %add3A_431 : i32
      %swap3A_433 = arith.index_cast %add3A_432 : i32 to index
      %swap3A_434 = arith.index_cast %mul3A_416 : i32 to index
      %swap3A_435 = tpu.vector_load %arg5[%swap3A_433, %swap3A_434] {strides = array<i32>} : memref<24x4096xf32, #tpu.memory_space<vmem>>, vector<16xf32>,
      tpu.vector_store %arg5[%swap3A_433, %swap3A_434], %select_n3A_430 {strides = array<i32>} : memref<24x4096xf32, #tpu.memory_space<vmem>>, vector<16xf32>,
      %scan3A_436 = arith.constant 0 : i32
      %scan3A_437 = arith.constant 32 : i32
      %scan3A_438 = arith.addi %scan3A_436, %scan3A_437 : i32
      %scan3A_439 = arith.constant 1 : i32
      %scan3A_440:8 = scf.for %scan3A_550 = %scan3A_436 to %scan3A_438 step %scan3A_439 iter_args(%scan3A_551 = %broadcast_in_dim3A_40, %scan3A_552 = %broadcast_in_dim3A_40, %scan3A_553 = %broadcast_in_dim3A_40, %scan3A_554 = %broadcast_in_dim3A_40, %scan3A_555 = %broadcast_in_dim3A_40, %scan3A_556 = %broadcast_in_dim3A_40, %scan3A_557 = %broadcast_in_dim3A_40, %scan3A_558 = %broadcast_in_dim3A_40) -> (vector<16xf32>, vector<16xf32>, vector<16xf32>, vector<16xf32>, vector<16xf32>, vector<16xf32>, vector<16xf32>, vector<16xf32>)  : i32 {
        %mul3A_559 = arith.constant 128 : i32
        %mul3A_560 = arith.muli %scan3A_550, %mul3A_559 : i32
        %add3A_561 = arith.constant 0 : i32
        %add3A_562 = arith.addi %mul3A_53, %add3A_561 : i32
        %add3A_563 = arith.constant 0 : i32
        %add3A_564 = arith.addi %mul3A_560, %add3A_563 : i32
        %get3A_565 = arith.index_cast %add3A_562 : i32 to index
        %get3A_566 = arith.index_cast %add3A_564 : i32 to index
        %get3A_567 = tpu.vector_load %arg5[%get3A_565, %get3A_566] {strides = array<i32>} : memref<24x4096xf32, #tpu.memory_space<vmem>>, vector<16xf32>,
        %add3A_568 = arith.constant 0 : i32
        %add3A_569 = arith.addi %mul3A_53, %add3A_568 : i32
        %add3A_570 = arith.constant 16 : i32
        %add3A_571 = arith.addi %mul3A_560, %add3A_570 : i32
        %get3A_572 = arith.index_cast %add3A_569 : i32 to index
        %get3A_573 = arith.index_cast %add3A_571 : i32 to index
        %get3A_574 = tpu.vector_load %arg5[%get3A_572, %get3A_573] {strides = array<i32>} : memref<24x4096xf32, #tpu.memory_space<vmem>>, vector<16xf32>,
        %add3A_575 = arith.constant 0 : i32
        %add3A_576 = arith.addi %mul3A_53, %add3A_575 : i32
        %add3A_577 = arith.constant 32 : i32
        %add3A_578 = arith.addi %mul3A_560, %add3A_577 : i32
        %get3A_579 = arith.index_cast %add3A_576 : i32 to index
        %get3A_580 = arith.index_cast %add3A_578 : i32 to index
        %get3A_581 = tpu.vector_load %arg5[%get3A_579, %get3A_580] {strides = array<i32>} : memref<24x4096xf32, #tpu.memory_space<vmem>>, vector<16xf32>,
        %add3A_582 = arith.constant 0 : i32
        %add3A_583 = arith.addi %mul3A_53, %add3A_582 : i32
        %add3A_584 = arith.constant 48 : i32
        %add3A_585 = arith.addi %mul3A_560, %add3A_584 : i32
        %get3A_586 = arith.index_cast %add3A_583 : i32 to index
        %get3A_587 = arith.index_cast %add3A_585 : i32 to index
        %get3A_588 = tpu.vector_load %arg5[%get3A_586, %get3A_587] {strides = array<i32>} : memref<24x4096xf32, #tpu.memory_space<vmem>>, vector<16xf32>,
        %add3A_589 = arith.constant 0 : i32
        %add3A_590 = arith.addi %mul3A_53, %add3A_589 : i32
        %add3A_591 = arith.constant 64 : i32
        %add3A_592 = arith.addi %mul3A_560, %add3A_591 : i32
        %get3A_593 = arith.index_cast %add3A_590 : i32 to index
        %get3A_594 = arith.index_cast %add3A_592 : i32 to index
        %get3A_595 = tpu.vector_load %arg5[%get3A_593, %get3A_594] {strides = array<i32>} : memref<24x4096xf32, #tpu.memory_space<vmem>>, vector<16xf32>,
        %add3A_596 = arith.constant 0 : i32
        %add3A_597 = arith.addi %mul3A_53, %add3A_596 : i32
        %add3A_598 = arith.constant 80 : i32
        %add3A_599 = arith.addi %mul3A_560, %add3A_598 : i32
        %get3A_600 = arith.index_cast %add3A_597 : i32 to index
        %get3A_601 = arith.index_cast %add3A_599 : i32 to index
        %get3A_602 = tpu.vector_load %arg5[%get3A_600, %get3A_601] {strides = array<i32>} : memref<24x4096xf32, #tpu.memory_space<vmem>>, vector<16xf32>,
        %add3A_603 = arith.constant 0 : i32
        %add3A_604 = arith.addi %mul3A_53, %add3A_603 : i32
        %add3A_605 = arith.constant 96 : i32
        %add3A_606 = arith.addi %mul3A_560, %add3A_605 : i32
        %get3A_607 = arith.index_cast %add3A_604 : i32 to index
        %get3A_608 = arith.index_cast %add3A_606 : i32 to index
        %get3A_609 = tpu.vector_load %arg5[%get3A_607, %get3A_608] {strides = array<i32>} : memref<24x4096xf32, #tpu.memory_space<vmem>>, vector<16xf32>,
        %add3A_610 = arith.constant 0 : i32
        %add3A_611 = arith.addi %mul3A_53, %add3A_610 : i32
        %add3A_612 = arith.constant 112 : i32
        %add3A_613 = arith.addi %mul3A_560, %add3A_612 : i32
        %get3A_614 = arith.index_cast %add3A_611 : i32 to index
        %get3A_615 = arith.index_cast %add3A_613 : i32 to index
        %get3A_616 = tpu.vector_load %arg5[%get3A_614, %get3A_615] {strides = array<i32>} : memref<24x4096xf32, #tpu.memory_space<vmem>>, vector<16xf32>,
        %max3A_617 = arith.maximumf %get3A_567, %get3A_574 : vector<16xf32>
        %max3A_618 = arith.maximumf %get3A_581, %get3A_588 : vector<16xf32>
        %max3A_619 = arith.maximumf %get3A_595, %get3A_602 : vector<16xf32>
        %max3A_620 = arith.maximumf %get3A_609, %get3A_616 : vector<16xf32>
        %max3A_621 = arith.maximumf %max3A_617, %max3A_618 : vector<16xf32>
        %max3A_622 = arith.maximumf %max3A_619, %max3A_620 : vector<16xf32>
        %max3A_623 = arith.maximumf %max3A_621, %max3A_622 : vector<16xf32>
        %max3A_624 = arith.maximumf %scan3A_551, %max3A_623 : vector<16xf32>
        %add3A_625 = arith.constant 1 : i32
        %add3A_626 = arith.addi %mul3A_53, %add3A_625 : i32
        %add3A_627 = arith.constant 0 : i32
        %add3A_628 = arith.addi %mul3A_560, %add3A_627 : i32
        %get3A_629 = arith.index_cast %add3A_626 : i32 to index
        %get3A_630 = arith.index_cast %add3A_628 : i32 to index
        %get3A_631 = tpu.vector_load %arg5[%get3A_629, %get3A_630] {strides = array<i32>} : memref<24x4096xf32, #tpu.memory_space<vmem>>, vector<16xf32>,
        %add3A_632 = arith.constant 1 : i32
        %add3A_633 = arith.addi %mul3A_53, %add3A_632 : i32
        %add3A_634 = arith.constant 16 : i32
        %add3A_635 = arith.addi %mul3A_560, %add3A_634 : i32
        %get3A_636 = arith.index_cast %add3A_633 : i32 to index
        %get3A_637 = arith.index_cast %add3A_635 : i32 to index
        %get3A_638 = tpu.vector_load %arg5[%get3A_636, %get3A_637] {strides = array<i32>} : memref<24x4096xf32, #tpu.memory_space<vmem>>, vector<16xf32>,
        %add3A_639 = arith.constant 1 : i32
        %add3A_640 = arith.addi %mul3A_53, %add3A_639 : i32
        %add3A_641 = arith.constant 32 : i32
        %add3A_642 = arith.addi %mul3A_560, %add3A_641 : i32
        %get3A_643 = arith.index_cast %add3A_640 : i32 to index
        %get3A_644 = arith.index_cast %add3A_642 : i32 to index
        %get3A_645 = tpu.vector_load %arg5[%get3A_643, %get3A_644] {strides = array<i32>} : memref<24x4096xf32, #tpu.memory_space<vmem>>, vector<16xf32>,
        %add3A_646 = arith.constant 1 : i32
        %add3A_647 = arith.addi %mul3A_53, %add3A_646 : i32
        %add3A_648 = arith.constant 48 : i32
        %add3A_649 = arith.addi %mul3A_560, %add3A_648 : i32
        %get3A_650 = arith.index_cast %add3A_647 : i32 to index
        %get3A_651 = arith.index_cast %add3A_649 : i32 to index
        %get3A_652 = tpu.vector_load %arg5[%get3A_650, %get3A_651] {strides = array<i32>} : memref<24x4096xf32, #tpu.memory_space<vmem>>, vector<16xf32>,
        %add3A_653 = arith.constant 1 : i32
        %add3A_654 = arith.addi %mul3A_53, %add3A_653 : i32
        %add3A_655 = arith.constant 64 : i32
        %add3A_656 = arith.addi %mul3A_560, %add3A_655 : i32
        %get3A_657 = arith.index_cast %add3A_654 : i32 to index
        %get3A_658 = arith.index_cast %add3A_656 : i32 to index
        %get3A_659 = tpu.vector_load %arg5[%get3A_657, %get3A_658] {strides = array<i32>} : memref<24x4096xf32, #tpu.memory_space<vmem>>, vector<16xf32>,
        %add3A_660 = arith.constant 1 : i32
        %add3A_661 = arith.addi %mul3A_53, %add3A_660 : i32
        %add3A_662 = arith.constant 80 : i32
        %add3A_663 = arith.addi %mul3A_560, %add3A_662 : i32
        %get3A_664 = arith.index_cast %add3A_661 : i32 to index
        %get3A_665 = arith.index_cast %add3A_663 : i32 to index
        %get3A_666 = tpu.vector_load %arg5[%get3A_664, %get3A_665] {strides = array<i32>} : memref<24x4096xf32, #tpu.memory_space<vmem>>, vector<16xf32>,
        %add3A_667 = arith.constant 1 : i32
        %add3A_668 = arith.addi %mul3A_53, %add3A_667 : i32
        %add3A_669 = arith.constant 96 : i32
        %add3A_670 = arith.addi %mul3A_560, %add3A_669 : i32
        %get3A_671 = arith.index_cast %add3A_668 : i32 to index
        %get3A_672 = arith.index_cast %add3A_670 : i32 to index
        %get3A_673 = tpu.vector_load %arg5[%get3A_671, %get3A_672] {strides = array<i32>} : memref<24x4096xf32, #tpu.memory_space<vmem>>, vector<16xf32>,
        %add3A_674 = arith.constant 1 : i32
        %add3A_675 = arith.addi %mul3A_53, %add3A_674 : i32
        %add3A_676 = arith.constant 112 : i32
        %add3A_677 = arith.addi %mul3A_560, %add3A_676 : i32
        %get3A_678 = arith.index_cast %add3A_675 : i32 to index
        %get3A_679 = arith.index_cast %add3A_677 : i32 to index
        %get3A_680 = tpu.vector_load %arg5[%get3A_678, %get3A_679] {strides = array<i32>} : memref<24x4096xf32, #tpu.memory_space<vmem>>, vector<16xf32>,
        %max3A_681 = arith.maximumf %get3A_631, %get3A_638 : vector<16xf32>
        %max3A_682 = arith.maximumf %get3A_645, %get3A_652 : vector<16xf32>
        %max3A_683 = arith.maximumf %get3A_659, %get3A_666 : vector<16xf32>
        %max3A_684 = arith.maximumf %get3A_673, %get3A_680 : vector<16xf32>
        %max3A_685 = arith.maximumf %max3A_681, %max3A_682 : vector<16xf32>
        %max3A_686 = arith.maximumf %max3A_683, %max3A_684 : vector<16xf32>
        %max3A_687 = arith.maximumf %max3A_685, %max3A_686 : vector<16xf32>
        %max3A_688 = arith.maximumf %scan3A_552, %max3A_687 : vector<16xf32>
        %add3A_689 = arith.constant 2 : i32
        %add3A_690 = arith.addi %mul3A_53, %add3A_689 : i32
        %add3A_691 = arith.constant 0 : i32
        %add3A_692 = arith.addi %mul3A_560, %add3A_691 : i32
        %get3A_693 = arith.index_cast %add3A_690 : i32 to index
        %get3A_694 = arith.index_cast %add3A_692 : i32 to index
        %get3A_695 = tpu.vector_load %arg5[%get3A_693, %get3A_694] {strides = array<i32>} : memref<24x4096xf32, #tpu.memory_space<vmem>>, vector<16xf32>,
        %add3A_696 = arith.constant 2 : i32
        %add3A_697 = arith.addi %mul3A_53, %add3A_696 : i32
        %add3A_698 = arith.constant 16 : i32
        %add3A_699 = arith.addi %mul3A_560, %add3A_698 : i32
        %get3A_700 = arith.index_cast %add3A_697 : i32 to index
        %get3A_701 = arith.index_cast %add3A_699 : i32 to index
        %get3A_702 = tpu.vector_load %arg5[%get3A_700, %get3A_701] {strides = array<i32>} : memref<24x4096xf32, #tpu.memory_space<vmem>>, vector<16xf32>,
        %add3A_703 = arith.constant 2 : i32
        %add3A_704 = arith.addi %mul3A_53, %add3A_703 : i32
        %add3A_705 = arith.constant 32 : i32
        %add3A_706 = arith.addi %mul3A_560, %add3A_705 : i32
        %get3A_707 = arith.index_cast %add3A_704 : i32 to index
        %get3A_708 = arith.index_cast %add3A_706 : i32 to index
        %get3A_709 = tpu.vector_load %arg5[%get3A_707, %get3A_708] {strides = array<i32>} : memref<24x4096xf32, #tpu.memory_space<vmem>>, vector<16xf32>,
        %add3A_710 = arith.constant 2 : i32
        %add3A_711 = arith.addi %mul3A_53, %add3A_710 : i32
        %add3A_712 = arith.constant 48 : i32
        %add3A_713 = arith.addi %mul3A_560, %add3A_712 : i32
        %get3A_714 = arith.index_cast %add3A_711 : i32 to index
        %get3A_715 = arith.index_cast %add3A_713 : i32 to index
        %get3A_716 = tpu.vector_load %arg5[%get3A_714, %get3A_715] {strides = array<i32>} : memref<24x4096xf32, #tpu.memory_space<vmem>>, vector<16xf32>,
        %add3A_717 = arith.constant 2 : i32
        %add3A_718 = arith.addi %mul3A_53, %add3A_717 : i32
        %add3A_719 = arith.constant 64 : i32
        %add3A_720 = arith.addi %mul3A_560, %add3A_719 : i32
        %get3A_721 = arith.index_cast %add3A_718 : i32 to index
        %get3A_722 = arith.index_cast %add3A_720 : i32 to index
        %get3A_723 = tpu.vector_load %arg5[%get3A_721, %get3A_722] {strides = array<i32>} : memref<24x4096xf32, #tpu.memory_space<vmem>>, vector<16xf32>,
        %add3A_724 = arith.constant 2 : i32
        %add3A_725 = arith.addi %mul3A_53, %add3A_724 : i32
        %add3A_726 = arith.constant 80 : i32
        %add3A_727 = arith.addi %mul3A_560, %add3A_726 : i32
        %get3A_728 = arith.index_cast %add3A_725 : i32 to index
        %get3A_729 = arith.index_cast %add3A_727 : i32 to index
        %get3A_730 = tpu.vector_load %arg5[%get3A_728, %get3A_729] {strides = array<i32>} : memref<24x4096xf32, #tpu.memory_space<vmem>>, vector<16xf32>,
        %add3A_731 = arith.constant 2 : i32
        %add3A_732 = arith.addi %mul3A_53, %add3A_731 : i32
        %add3A_733 = arith.constant 96 : i32
        %add3A_734 = arith.addi %mul3A_560, %add3A_733 : i32
        %get3A_735 = arith.index_cast %add3A_732 : i32 to index
        %get3A_736 = arith.index_cast %add3A_734 : i32 to index
        %get3A_737 = tpu.vector_load %arg5[%get3A_735, %get3A_736] {strides = array<i32>} : memref<24x4096xf32, #tpu.memory_space<vmem>>, vector<16xf32>,
        %add3A_738 = arith.constant 2 : i32
        %add3A_739 = arith.addi %mul3A_53, %add3A_738 : i32
        %add3A_740 = arith.constant 112 : i32
        %add3A_741 = arith.addi %mul3A_560, %add3A_740 : i32
        %get3A_742 = arith.index_cast %add3A_739 : i32 to index
        %get3A_743 = arith.index_cast %add3A_741 : i32 to index
        %get3A_744 = tpu.vector_load %arg5[%get3A_742, %get3A_743] {strides = array<i32>} : memref<24x4096xf32, #tpu.memory_space<vmem>>, vector<16xf32>,
        %max3A_745 = arith.maximumf %get3A_695, %get3A_702 : vector<16xf32>
        %max3A_746 = arith.maximumf %get3A_709, %get3A_716 : vector<16xf32>
        %max3A_747 = arith.maximumf %get3A_723, %get3A_730 : vector<16xf32>
        %max3A_748 = arith.maximumf %get3A_737, %get3A_744 : vector<16xf32>
        %max3A_749 = arith.maximumf %max3A_745, %max3A_746 : vector<16xf32>
        %max3A_750 = arith.maximumf %max3A_747, %max3A_748 : vector<16xf32>
        %max3A_751 = arith.maximumf %max3A_749, %max3A_750 : vector<16xf32>
        %max3A_752 = arith.maximumf %scan3A_553, %max3A_751 : vector<16xf32>
        %add3A_753 = arith.constant 3 : i32
        %add3A_754 = arith.addi %mul3A_53, %add3A_753 : i32
        %add3A_755 = arith.constant 0 : i32
        %add3A_756 = arith.addi %mul3A_560, %add3A_755 : i32
        %get3A_757 = arith.index_cast %add3A_754 : i32 to index
        %get3A_758 = arith.index_cast %add3A_756 : i32 to index
        %get3A_759 = tpu.vector_load %arg5[%get3A_757, %get3A_758] {strides = array<i32>} : memref<24x4096xf32, #tpu.memory_space<vmem>>, vector<16xf32>,
        %add3A_760 = arith.constant 3 : i32
        %add3A_761 = arith.addi %mul3A_53, %add3A_760 : i32
        %add3A_762 = arith.constant 16 : i32
        %add3A_763 = arith.addi %mul3A_560, %add3A_762 : i32
        %get3A_764 = arith.index_cast %add3A_761 : i32 to index
        %get3A_765 = arith.index_cast %add3A_763 : i32 to index
        %get3A_766 = tpu.vector_load %arg5[%get3A_764, %get3A_765] {strides = array<i32>} : memref<24x4096xf32, #tpu.memory_space<vmem>>, vector<16xf32>,
        %add3A_767 = arith.constant 3 : i32
        %add3A_768 = arith.addi %mul3A_53, %add3A_767 : i32
        %add3A_769 = arith.constant 32 : i32
        %add3A_770 = arith.addi %mul3A_560, %add3A_769 : i32
        %get3A_771 = arith.index_cast %add3A_768 : i32 to index
        %get3A_772 = arith.index_cast %add3A_770 : i32 to index
        %get3A_773 = tpu.vector_load %arg5[%get3A_771, %get3A_772] {strides = array<i32>} : memref<24x4096xf32, #tpu.memory_space<vmem>>, vector<16xf32>,
        %add3A_774 = arith.constant 3 : i32
        %add3A_775 = arith.addi %mul3A_53, %add3A_774 : i32
        %add3A_776 = arith.constant 48 : i32
        %add3A_777 = arith.addi %mul3A_560, %add3A_776 : i32
        %get3A_778 = arith.index_cast %add3A_775 : i32 to index
        %get3A_779 = arith.index_cast %add3A_777 : i32 to index
        %get3A_780 = tpu.vector_load %arg5[%get3A_778, %get3A_779] {strides = array<i32>} : memref<24x4096xf32, #tpu.memory_space<vmem>>, vector<16xf32>,
        %add3A_781 = arith.constant 3 : i32
        %add3A_782 = arith.addi %mul3A_53, %add3A_781 : i32
        %add3A_783 = arith.constant 64 : i32
        %add3A_784 = arith.addi %mul3A_560, %add3A_783 : i32
        %get3A_785 = arith.index_cast %add3A_782 : i32 to index
        %get3A_786 = arith.index_cast %add3A_784 : i32 to index
        %get3A_787 = tpu.vector_load %arg5[%get3A_785, %get3A_786] {strides = array<i32>} : memref<24x4096xf32, #tpu.memory_space<vmem>>, vector<16xf32>,
        %add3A_788 = arith.constant 3 : i32
        %add3A_789 = arith.addi %mul3A_53, %add3A_788 : i32
        %add3A_790 = arith.constant 80 : i32
        %add3A_791 = arith.addi %mul3A_560, %add3A_790 : i32
        %get3A_792 = arith.index_cast %add3A_789 : i32 to index
        %get3A_793 = arith.index_cast %add3A_791 : i32 to index
        %get3A_794 = tpu.vector_load %arg5[%get3A_792, %get3A_793] {strides = array<i32>} : memref<24x4096xf32, #tpu.memory_space<vmem>>, vector<16xf32>,
        %add3A_795 = arith.constant 3 : i32
        %add3A_796 = arith.addi %mul3A_53, %add3A_795 : i32
        %add3A_797 = arith.constant 96 : i32
        %add3A_798 = arith.addi %mul3A_560, %add3A_797 : i32
        %get3A_799 = arith.index_cast %add3A_796 : i32 to index
        %get3A_800 = arith.index_cast %add3A_798 : i32 to index
        %get3A_801 = tpu.vector_load %arg5[%get3A_799, %get3A_800] {strides = array<i32>} : memref<24x4096xf32, #tpu.memory_space<vmem>>, vector<16xf32>,
        %add3A_802 = arith.constant 3 : i32
        %add3A_803 = arith.addi %mul3A_53, %add3A_802 : i32
        %add3A_804 = arith.constant 112 : i32
        %add3A_805 = arith.addi %mul3A_560, %add3A_804 : i32
        %get3A_806 = arith.index_cast %add3A_803 : i32 to index
        %get3A_807 = arith.index_cast %add3A_805 : i32 to index
        %get3A_808 = tpu.vector_load %arg5[%get3A_806, %get3A_807] {strides = array<i32>} : memref<24x4096xf32, #tpu.memory_space<vmem>>, vector<16xf32>,
        %max3A_809 = arith.maximumf %get3A_759, %get3A_766 : vector<16xf32>
        %max3A_810 = arith.maximumf %get3A_773, %get3A_780 : vector<16xf32>
        %max3A_811 = arith.maximumf %get3A_787, %get3A_794 : vector<16xf32>
        %max3A_812 = arith.maximumf %get3A_801, %get3A_808 : vector<16xf32>
        %max3A_813 = arith.maximumf %max3A_809, %max3A_810 : vector<16xf32>
        %max3A_814 = arith.maximumf %max3A_811, %max3A_812 : vector<16xf32>
        %max3A_815 = arith.maximumf %max3A_813, %max3A_814 : vector<16xf32>
        %max3A_816 = arith.maximumf %scan3A_554, %max3A_815 : vector<16xf32>
        %add3A_817 = arith.constant 4 : i32
        %add3A_818 = arith.addi %mul3A_53, %add3A_817 : i32
        %add3A_819 = arith.constant 0 : i32
        %add3A_820 = arith.addi %mul3A_560, %add3A_819 : i32
        %get3A_821 = arith.index_cast %add3A_818 : i32 to index
        %get3A_822 = arith.index_cast %add3A_820 : i32 to index
        %get3A_823 = tpu.vector_load %arg5[%get3A_821, %get3A_822] {strides = array<i32>} : memref<24x4096xf32, #tpu.memory_space<vmem>>, vector<16xf32>,
        %add3A_824 = arith.constant 4 : i32
        %add3A_825 = arith.addi %mul3A_53, %add3A_824 : i32
        %add3A_826 = arith.constant 16 : i32
        %add3A_827 = arith.addi %mul3A_560, %add3A_826 : i32
        %get3A_828 = arith.index_cast %add3A_825 : i32 to index
        %get3A_829 = arith.index_cast %add3A_827 : i32 to index
        %get3A_830 = tpu.vector_load %arg5[%get3A_828, %get3A_829] {strides = array<i32>} : memref<24x4096xf32, #tpu.memory_space<vmem>>, vector<16xf32>,
        %add3A_831 = arith.constant 4 : i32
        %add3A_832 = arith.addi %mul3A_53, %add3A_831 : i32
        %add3A_833 = arith.constant 32 : i32
        %add3A_834 = arith.addi %mul3A_560, %add3A_833 : i32
        %get3A_835 = arith.index_cast %add3A_832 : i32 to index
        %get3A_836 = arith.index_cast %add3A_834 : i32 to index
        %get3A_837 = tpu.vector_load %arg5[%get3A_835, %get3A_836] {strides = array<i32>} : memref<24x4096xf32, #tpu.memory_space<vmem>>, vector<16xf32>,
        %add3A_838 = arith.constant 4 : i32
        %add3A_839 = arith.addi %mul3A_53, %add3A_838 : i32
        %add3A_840 = arith.constant 48 : i32
        %add3A_841 = arith.addi %mul3A_560, %add3A_840 : i32
        %get3A_842 = arith.index_cast %add3A_839 : i32 to index
        %get3A_843 = arith.index_cast %add3A_841 : i32 to index
        %get3A_844 = tpu.vector_load %arg5[%get3A_842, %get3A_843] {strides = array<i32>} : memref<24x4096xf32, #tpu.memory_space<vmem>>, vector<16xf32>,
        %add3A_845 = arith.constant 4 : i32
        %add3A_846 = arith.addi %mul3A_53, %add3A_845 : i32
        %add3A_847 = arith.constant 64 : i32
        %add3A_848 = arith.addi %mul3A_560, %add3A_847 : i32
        %get3A_849 = arith.index_cast %add3A_846 : i32 to index
        %get3A_850 = arith.index_cast %add3A_848 : i32 to index
        %get3A_851 = tpu.vector_load %arg5[%get3A_849, %get3A_850] {strides = array<i32>} : memref<24x4096xf32, #tpu.memory_space<vmem>>, vector<16xf32>,
        %add3A_852 = arith.constant 4 : i32
        %add3A_853 = arith.addi %mul3A_53, %add3A_852 : i32
        %add3A_854 = arith.constant 80 : i32
        %add3A_855 = arith.addi %mul3A_560, %add3A_854 : i32
        %get3A_856 = arith.index_cast %add3A_853 : i32 to index
        %get3A_857 = arith.index_cast %add3A_855 : i32 to index
        %get3A_858 = tpu.vector_load %arg5[%get3A_856, %get3A_857] {strides = array<i32>} : memref<24x4096xf32, #tpu.memory_space<vmem>>, vector<16xf32>,
        %add3A_859 = arith.constant 4 : i32
        %add3A_860 = arith.addi %mul3A_53, %add3A_859 : i32
        %add3A_861 = arith.constant 96 : i32
        %add3A_862 = arith.addi %mul3A_560, %add3A_861 : i32
        %get3A_863 = arith.index_cast %add3A_860 : i32 to index
        %get3A_864 = arith.index_cast %add3A_862 : i32 to index
        %get3A_865 = tpu.vector_load %arg5[%get3A_863, %get3A_864] {strides = array<i32>} : memref<24x4096xf32, #tpu.memory_space<vmem>>, vector<16xf32>,
        %add3A_866 = arith.constant 4 : i32
        %add3A_867 = arith.addi %mul3A_53, %add3A_866 : i32
        %add3A_868 = arith.constant 112 : i32
        %add3A_869 = arith.addi %mul3A_560, %add3A_868 : i32
        %get3A_870 = arith.index_cast %add3A_867 : i32 to index
        %get3A_871 = arith.index_cast %add3A_869 : i32 to index
        %get3A_872 = tpu.vector_load %arg5[%get3A_870, %get3A_871] {strides = array<i32>} : memref<24x4096xf32, #tpu.memory_space<vmem>>, vector<16xf32>,
        %max3A_873 = arith.maximumf %get3A_823, %get3A_830 : vector<16xf32>
        %max3A_874 = arith.maximumf %get3A_837, %get3A_844 : vector<16xf32>
        %max3A_875 = arith.maximumf %get3A_851, %get3A_858 : vector<16xf32>
        %max3A_876 = arith.maximumf %get3A_865, %get3A_872 : vector<16xf32>
        %max3A_877 = arith.maximumf %max3A_873, %max3A_874 : vector<16xf32>
        %max3A_878 = arith.maximumf %max3A_875, %max3A_876 : vector<16xf32>
        %max3A_879 = arith.maximumf %max3A_877, %max3A_878 : vector<16xf32>
        %max3A_880 = arith.maximumf %scan3A_555, %max3A_879 : vector<16xf32>
        %add3A_881 = arith.constant 5 : i32
        %add3A_882 = arith.addi %mul3A_53, %add3A_881 : i32
        %add3A_883 = arith.constant 0 : i32
        %add3A_884 = arith.addi %mul3A_560, %add3A_883 : i32
        %get3A_885 = arith.index_cast %add3A_882 : i32 to index
        %get3A_886 = arith.index_cast %add3A_884 : i32 to index
        %get3A_887 = tpu.vector_load %arg5[%get3A_885, %get3A_886] {strides = array<i32>} : memref<24x4096xf32, #tpu.memory_space<vmem>>, vector<16xf32>,
        %add3A_888 = arith.constant 5 : i32
        %add3A_889 = arith.addi %mul3A_53, %add3A_888 : i32
        %add3A_890 = arith.constant 16 : i32
        %add3A_891 = arith.addi %mul3A_560, %add3A_890 : i32
        %get3A_892 = arith.index_cast %add3A_889 : i32 to index
        %get3A_893 = arith.index_cast %add3A_891 : i32 to index
        %get3A_894 = tpu.vector_load %arg5[%get3A_892, %get3A_893] {strides = array<i32>} : memref<24x4096xf32, #tpu.memory_space<vmem>>, vector<16xf32>,
        %add3A_895 = arith.constant 5 : i32
        %add3A_896 = arith.addi %mul3A_53, %add3A_895 : i32
        %add3A_897 = arith.constant 32 : i32
        %add3A_898 = arith.addi %mul3A_560, %add3A_897 : i32
        %get3A_899 = arith.index_cast %add3A_896 : i32 to index
        %get3A_900 = arith.index_cast %add3A_898 : i32 to index
        %get3A_901 = tpu.vector_load %arg5[%get3A_899, %get3A_900] {strides = array<i32>} : memref<24x4096xf32, #tpu.memory_space<vmem>>, vector<16xf32>,
        %add3A_902 = arith.constant 5 : i32
        %add3A_903 = arith.addi %mul3A_53, %add3A_902 : i32
        %add3A_904 = arith.constant 48 : i32
        %add3A_905 = arith.addi %mul3A_560, %add3A_904 : i32
        %get3A_906 = arith.index_cast %add3A_903 : i32 to index
        %get3A_907 = arith.index_cast %add3A_905 : i32 to index
        %get3A_908 = tpu.vector_load %arg5[%get3A_906, %get3A_907] {strides = array<i32>} : memref<24x4096xf32, #tpu.memory_space<vmem>>, vector<16xf32>,
        %add3A_909 = arith.constant 5 : i32
        %add3A_910 = arith.addi %mul3A_53, %add3A_909 : i32
        %add3A_911 = arith.constant 64 : i32
        %add3A_912 = arith.addi %mul3A_560, %add3A_911 : i32
        %get3A_913 = arith.index_cast %add3A_910 : i32 to index
        %get3A_914 = arith.index_cast %add3A_912 : i32 to index
        %get3A_915 = tpu.vector_load %arg5[%get3A_913, %get3A_914] {strides = array<i32>} : memref<24x4096xf32, #tpu.memory_space<vmem>>, vector<16xf32>,
        %add3A_916 = arith.constant 5 : i32
        %add3A_917 = arith.addi %mul3A_53, %add3A_916 : i32
        %add3A_918 = arith.constant 80 : i32
        %add3A_919 = arith.addi %mul3A_560, %add3A_918 : i32
        %get3A_920 = arith.index_cast %add3A_917 : i32 to index
        %get3A_921 = arith.index_cast %add3A_919 : i32 to index
        %get3A_922 = tpu.vector_load %arg5[%get3A_920, %get3A_921] {strides = array<i32>} : memref<24x4096xf32, #tpu.memory_space<vmem>>, vector<16xf32>,
        %add3A_923 = arith.constant 5 : i32
        %add3A_924 = arith.addi %mul3A_53, %add3A_923 : i32
        %add3A_925 = arith.constant 96 : i32
        %add3A_926 = arith.addi %mul3A_560, %add3A_925 : i32
        %get3A_927 = arith.index_cast %add3A_924 : i32 to index
        %get3A_928 = arith.index_cast %add3A_926 : i32 to index
        %get3A_929 = tpu.vector_load %arg5[%get3A_927, %get3A_928] {strides = array<i32>} : memref<24x4096xf32, #tpu.memory_space<vmem>>, vector<16xf32>,
        %add3A_930 = arith.constant 5 : i32
        %add3A_931 = arith.addi %mul3A_53, %add3A_930 : i32
        %add3A_932 = arith.constant 112 : i32
        %add3A_933 = arith.addi %mul3A_560, %add3A_932 : i32
        %get3A_934 = arith.index_cast %add3A_931 : i32 to index
        %get3A_935 = arith.index_cast %add3A_933 : i32 to index
        %get3A_936 = tpu.vector_load %arg5[%get3A_934, %get3A_935] {strides = array<i32>} : memref<24x4096xf32, #tpu.memory_space<vmem>>, vector<16xf32>,
        %max3A_937 = arith.maximumf %get3A_887, %get3A_894 : vector<16xf32>
        %max3A_938 = arith.maximumf %get3A_901, %get3A_908 : vector<16xf32>
        %max3A_939 = arith.maximumf %get3A_915, %get3A_922 : vector<16xf32>
        %max3A_940 = arith.maximumf %get3A_929, %get3A_936 : vector<16xf32>
        %max3A_941 = arith.maximumf %max3A_937, %max3A_938 : vector<16xf32>
        %max3A_942 = arith.maximumf %max3A_939, %max3A_940 : vector<16xf32>
        %max3A_943 = arith.maximumf %max3A_941, %max3A_942 : vector<16xf32>
        %max3A_944 = arith.maximumf %scan3A_556, %max3A_943 : vector<16xf32>
        %add3A_945 = arith.constant 6 : i32
        %add3A_946 = arith.addi %mul3A_53, %add3A_945 : i32
        %add3A_947 = arith.constant 0 : i32
        %add3A_948 = arith.addi %mul3A_560, %add3A_947 : i32
        %get3A_949 = arith.index_cast %add3A_946 : i32 to index
        %get3A_950 = arith.index_cast %add3A_948 : i32 to index
        %get3A_951 = tpu.vector_load %arg5[%get3A_949, %get3A_950] {strides = array<i32>} : memref<24x4096xf32, #tpu.memory_space<vmem>>, vector<16xf32>,
        %add3A_952 = arith.constant 6 : i32
        %add3A_953 = arith.addi %mul3A_53, %add3A_952 : i32
        %add3A_954 = arith.constant 16 : i32
        %add3A_955 = arith.addi %mul3A_560, %add3A_954 : i32
        %get3A_956 = arith.index_cast %add3A_953 : i32 to index
        %get3A_957 = arith.index_cast %add3A_955 : i32 to index
        %get3A_958 = tpu.vector_load %arg5[%get3A_956, %get3A_957] {strides = array<i32>} : memref<24x4096xf32, #tpu.memory_space<vmem>>, vector<16xf32>,
        %add3A_959 = arith.constant 6 : i32
        %add3A_960 = arith.addi %mul3A_53, %add3A_959 : i32
        %add3A_961 = arith.constant 32 : i32
        %add3A_962 = arith.addi %mul3A_560, %add3A_961 : i32
        %get3A_963 = arith.index_cast %add3A_960 : i32 to index
        %get3A_964 = arith.index_cast %add3A_962 : i32 to index
        %get3A_965 = tpu.vector_load %arg5[%get3A_963, %get3A_964] {strides = array<i32>} : memref<24x4096xf32, #tpu.memory_space<vmem>>, vector<16xf32>,
        %add3A_966 = arith.constant 6 : i32
        %add3A_967 = arith.addi %mul3A_53, %add3A_966 : i32
        %add3A_968 = arith.constant 48 : i32
        %add3A_969 = arith.addi %mul3A_560, %add3A_968 : i32
        %get3A_970 = arith.index_cast %add3A_967 : i32 to index
        %get3A_971 = arith.index_cast %add3A_969 : i32 to index
        %get3A_972 = tpu.vector_load %arg5[%get3A_970, %get3A_971] {strides = array<i32>} : memref<24x4096xf32, #tpu.memory_space<vmem>>, vector<16xf32>,
        %add3A_973 = arith.constant 6 : i32
        %add3A_974 = arith.addi %mul3A_53, %add3A_973 : i32
        %add3A_975 = arith.constant 64 : i32
        %add3A_976 = arith.addi %mul3A_560, %add3A_975 : i32
        %get3A_977 = arith.index_cast %add3A_974 : i32 to index
        %get3A_978 = arith.index_cast %add3A_976 : i32 to index
        %get3A_979 = tpu.vector_load %arg5[%get3A_977, %get3A_978] {strides = array<i32>} : memref<24x4096xf32, #tpu.memory_space<vmem>>, vector<16xf32>,
        %add3A_980 = arith.constant 6 : i32
        %add3A_981 = arith.addi %mul3A_53, %add3A_980 : i32
        %add3A_982 = arith.constant 80 : i32
        %add3A_983 = arith.addi %mul3A_560, %add3A_982 : i32
        %get3A_984 = arith.index_cast %add3A_981 : i32 to index
        %get3A_985 = arith.index_cast %add3A_983 : i32 to index
        %get3A_986 = tpu.vector_load %arg5[%get3A_984, %get3A_985] {strides = array<i32>} : memref<24x4096xf32, #tpu.memory_space<vmem>>, vector<16xf32>,
        %add3A_987 = arith.constant 6 : i32
        %add3A_988 = arith.addi %mul3A_53, %add3A_987 : i32
        %add3A_989 = arith.constant 96 : i32
        %add3A_990 = arith.addi %mul3A_560, %add3A_989 : i32
        %get3A_991 = arith.index_cast %add3A_988 : i32 to index
        %get3A_992 = arith.index_cast %add3A_990 : i32 to index
        %get3A_993 = tpu.vector_load %arg5[%get3A_991, %get3A_992] {strides = array<i32>} : memref<24x4096xf32, #tpu.memory_space<vmem>>, vector<16xf32>,
        %add3A_994 = arith.constant 6 : i32
        %add3A_995 = arith.addi %mul3A_53, %add3A_994 : i32
        %add3A_996 = arith.constant 112 : i32
        %add3A_997 = arith.addi %mul3A_560, %add3A_996 : i32
        %get3A_998 = arith.index_cast %add3A_995 : i32 to index
        %get3A_999 = arith.index_cast %add3A_997 : i32 to index
        %get3A_1000 = tpu.vector_load %arg5[%get3A_998, %get3A_999] {strides = array<i32>} : memref<24x4096xf32, #tpu.memory_space<vmem>>, vector<16xf32>,
        %max3A_1001 = arith.maximumf %get3A_951, %get3A_958 : vector<16xf32>
        %max3A_1002 = arith.maximumf %get3A_965, %get3A_972 : vector<16xf32>
        %max3A_1003 = arith.maximumf %get3A_979, %get3A_986 : vector<16xf32>
        %max3A_1004 = arith.maximumf %get3A_993, %get3A_1000 : vector<16xf32>
        %max3A_1005 = arith.maximumf %max3A_1001, %max3A_1002 : vector<16xf32>
        %max3A_1006 = arith.maximumf %max3A_1003, %max3A_1004 : vector<16xf32>
        %max3A_1007 = arith.maximumf %max3A_1005, %max3A_1006 : vector<16xf32>
        %max3A_1008 = arith.maximumf %scan3A_557, %max3A_1007 : vector<16xf32>
        %add3A_1009 = arith.constant 7 : i32
        %add3A_1010 = arith.addi %mul3A_53, %add3A_1009 : i32
        %add3A_1011 = arith.constant 0 : i32
        %add3A_1012 = arith.addi %mul3A_560, %add3A_1011 : i32
        %get3A_1013 = arith.index_cast %add3A_1010 : i32 to index
        %get3A_1014 = arith.index_cast %add3A_1012 : i32 to index
        %get3A_1015 = tpu.vector_load %arg5[%get3A_1013, %get3A_1014] {strides = array<i32>} : memref<24x4096xf32, #tpu.memory_space<vmem>>, vector<16xf32>,
        %add3A_1016 = arith.constant 7 : i32
        %add3A_1017 = arith.addi %mul3A_53, %add3A_1016 : i32
        %add3A_1018 = arith.constant 16 : i32
        %add3A_1019 = arith.addi %mul3A_560, %add3A_1018 : i32
        %get3A_1020 = arith.index_cast %add3A_1017 : i32 to index
        %get3A_1021 = arith.index_cast %add3A_1019 : i32 to index
        %get3A_1022 = tpu.vector_load %arg5[%get3A_1020, %get3A_1021] {strides = array<i32>} : memref<24x4096xf32, #tpu.memory_space<vmem>>, vector<16xf32>,
        %add3A_1023 = arith.constant 7 : i32
        %add3A_1024 = arith.addi %mul3A_53, %add3A_1023 : i32
        %add3A_1025 = arith.constant 32 : i32
        %add3A_1026 = arith.addi %mul3A_560, %add3A_1025 : i32
        %get3A_1027 = arith.index_cast %add3A_1024 : i32 to index
        %get3A_1028 = arith.index_cast %add3A_1026 : i32 to index
        %get3A_1029 = tpu.vector_load %arg5[%get3A_1027, %get3A_1028] {strides = array<i32>} : memref<24x4096xf32, #tpu.memory_space<vmem>>, vector<16xf32>,
        %add3A_1030 = arith.constant 7 : i32
        %add3A_1031 = arith.addi %mul3A_53, %add3A_1030 : i32
        %add3A_1032 = arith.constant 48 : i32
        %add3A_1033 = arith.addi %mul3A_560, %add3A_1032 : i32
        %get3A_1034 = arith.index_cast %add3A_1031 : i32 to index
        %get3A_1035 = arith.index_cast %add3A_1033 : i32 to index
        %get3A_1036 = tpu.vector_load %arg5[%get3A_1034, %get3A_1035] {strides = array<i32>} : memref<24x4096xf32, #tpu.memory_space<vmem>>, vector<16xf32>,
        %add3A_1037 = arith.constant 7 : i32
        %add3A_1038 = arith.addi %mul3A_53, %add3A_1037 : i32
        %add3A_1039 = arith.constant 64 : i32
        %add3A_1040 = arith.addi %mul3A_560, %add3A_1039 : i32
        %get3A_1041 = arith.index_cast %add3A_1038 : i32 to index
        %get3A_1042 = arith.index_cast %add3A_1040 : i32 to index
        %get3A_1043 = tpu.vector_load %arg5[%get3A_1041, %get3A_1042] {strides = array<i32>} : memref<24x4096xf32, #tpu.memory_space<vmem>>, vector<16xf32>,
        %add3A_1044 = arith.constant 7 : i32
        %add3A_1045 = arith.addi %mul3A_53, %add3A_1044 : i32
        %add3A_1046 = arith.constant 80 : i32
        %add3A_1047 = arith.addi %mul3A_560, %add3A_1046 : i32
        %get3A_1048 = arith.index_cast %add3A_1045 : i32 to index
        %get3A_1049 = arith.index_cast %add3A_1047 : i32 to index
        %get3A_1050 = tpu.vector_load %arg5[%get3A_1048, %get3A_1049] {strides = array<i32>} : memref<24x4096xf32, #tpu.memory_space<vmem>>, vector<16xf32>,
        %add3A_1051 = arith.constant 7 : i32
        %add3A_1052 = arith.addi %mul3A_53, %add3A_1051 : i32
        %add3A_1053 = arith.constant 96 : i32
        %add3A_1054 = arith.addi %mul3A_560, %add3A_1053 : i32
        %get3A_1055 = arith.index_cast %add3A_1052 : i32 to index
        %get3A_1056 = arith.index_cast %add3A_1054 : i32 to index
        %get3A_1057 = tpu.vector_load %arg5[%get3A_1055, %get3A_1056] {strides = array<i32>} : memref<24x4096xf32, #tpu.memory_space<vmem>>, vector<16xf32>,
        %add3A_1058 = arith.constant 7 : i32
        %add3A_1059 = arith.addi %mul3A_53, %add3A_1058 : i32
        %add3A_1060 = arith.constant 112 : i32
        %add3A_1061 = arith.addi %mul3A_560, %add3A_1060 : i32
        %get3A_1062 = arith.index_cast %add3A_1059 : i32 to index
        %get3A_1063 = arith.index_cast %add3A_1061 : i32 to index
        %get3A_1064 = tpu.vector_load %arg5[%get3A_1062, %get3A_1063] {strides = array<i32>} : memref<24x4096xf32, #tpu.memory_space<vmem>>, vector<16xf32>,
        %max3A_1065 = arith.maximumf %get3A_1015, %get3A_1022 : vector<16xf32>
        %max3A_1066 = arith.maximumf %get3A_1029, %get3A_1036 : vector<16xf32>
        %max3A_1067 = arith.maximumf %get3A_1043, %get3A_1050 : vector<16xf32>
        %max3A_1068 = arith.maximumf %get3A_1057, %get3A_1064 : vector<16xf32>
        %max3A_1069 = arith.maximumf %max3A_1065, %max3A_1066 : vector<16xf32>
        %max3A_1070 = arith.maximumf %max3A_1067, %max3A_1068 : vector<16xf32>
        %max3A_1071 = arith.maximumf %max3A_1069, %max3A_1070 : vector<16xf32>
        %max3A_1072 = arith.maximumf %scan3A_558, %max3A_1071 : vector<16xf32>
        scf.yield %max3A_624, %max3A_688, %max3A_752, %max3A_816, %max3A_880, %max3A_944, %max3A_1008, %max3A_1072 : vector<16xf32>, vector<16xf32>, vector<16xf32>, vector<16xf32>, vector<16xf32>, vector<16xf32>, vector<16xf32>, vector<16xf32>
      }
      %scan3A_441 = arith.constant 32 : i32
      %reduce_max3A_442 = arith.constant true
      %reduce_max3A_443 = vector.broadcast %reduce_max3A_442 : i1 to vector<16xi1>
      %reduce_max3A_444 = tpu.scan <max>, %scan3A_440#0 masked %reduce_max3A_443 : vector<16xf32>, vector<16xi1> -> vector<16xf32>
      %reduce_max3A_445 = vector.extract %reduce_max3A_444[15] : f32 from vector<16xf32>
      %sub3A_446 = arith.subf %reduce_max3A_445, %reduce_max3A_100 : f32
      %add3A_447 = arith.constant 2.000000e-01 : f32
      %add3A_448 = arith.addf %sub3A_446, %add3A_447 : f32
      %max3A = arith.constant 0.000000e+00 : f32
      %max3A_449 = arith.maximumf %add3A_448, %max3A : f32
      %add3A_450 = arith.addf %scan3A_50, %max3A_449 : f32
      %reduce_max3A_451 = arith.constant true
      %reduce_max3A_452 = vector.broadcast %reduce_max3A_451 : i1 to vector<16xi1>
      %reduce_max3A_453 = tpu.scan <max>, %scan3A_440#1 masked %reduce_max3A_452 : vector<16xf32>, vector<16xi1> -> vector<16xf32>
      %reduce_max3A_454 = vector.extract %reduce_max3A_453[15] : f32 from vector<16xf32>
      %sub3A_455 = arith.subf %reduce_max3A_454, %reduce_max3A_147 : f32
      %add3A_456 = arith.constant 2.000000e-01 : f32
      %add3A_457 = arith.addf %sub3A_455, %add3A_456 : f32
      %max3A_458 = arith.constant 0.000000e+00 : f32
      %max3A_459 = arith.maximumf %add3A_457, %max3A_458 : f32
      %add3A_460 = arith.addf %add3A_450, %max3A_459 : f32
      %reduce_max3A_461 = arith.constant true
      %reduce_max3A_462 = vector.broadcast %reduce_max3A_461 : i1 to vector<16xi1>
      %reduce_max3A_463 = tpu.scan <max>, %scan3A_440#2 masked %reduce_max3A_462 : vector<16xf32>, vector<16xi1> -> vector<16xf32>
      %reduce_max3A_464 = vector.extract %reduce_max3A_463[15] : f32 from vector<16xf32>
      %sub3A_465 = arith.subf %reduce_max3A_464, %reduce_max3A_194 : f32
      %add3A_466 = arith.constant 2.000000e-01 : f32
      %add3A_467 = arith.addf %sub3A_465, %add3A_466 : f32
      %max3A_468 = arith.constant 0.000000e+00 : f32
      %max3A_469 = arith.maximumf %add3A_467, %max3A_468 : f32
      %add3A_470 = arith.addf %add3A_460, %max3A_469 : f32
      %reduce_max3A_471 = arith.constant true
      %reduce_max3A_472 = vector.broadcast %reduce_max3A_471 : i1 to vector<16xi1>
      %reduce_max3A_473 = tpu.scan <max>, %scan3A_440#3 masked %reduce_max3A_472 : vector<16xf32>, vector<16xi1> -> vector<16xf32>
      %reduce_max3A_474 = vector.extract %reduce_max3A_473[15] : f32 from vector<16xf32>
      %sub3A_475 = arith.subf %reduce_max3A_474, %reduce_max3A_241 : f32
      %add3A_476 = arith.constant 2.000000e-01 : f32
      %add3A_477 = arith.addf %sub3A_475, %add3A_476 : f32
      %max3A_478 = arith.constant 0.000000e+00 : f32
      %max3A_479 = arith.maximumf %add3A_477, %max3A_478 : f32
      %add3A_480 = arith.addf %add3A_470, %max3A_479 : f32
      %reduce_max3A_481 = arith.constant true
      %reduce_max3A_482 = vector.broadcast %reduce_max3A_481 : i1 to vector<16xi1>
      %reduce_max3A_483 = tpu.scan <max>, %scan3A_440#4 masked %reduce_max3A_482 : vector<16xf32>, vector<16xi1> -> vector<16xf32>
      %reduce_max3A_484 = vector.extract %reduce_max3A_483[15] : f32 from vector<16xf32>
      %sub3A_485 = arith.subf %reduce_max3A_484, %reduce_max3A_288 : f32
      %add3A_486 = arith.constant 2.000000e-01 : f32
      %add3A_487 = arith.addf %sub3A_485, %add3A_486 : f32
      %max3A_488 = arith.constant 0.000000e+00 : f32
      %max3A_489 = arith.maximumf %add3A_487, %max3A_488 : f32
      %add3A_490 = arith.addf %add3A_480, %max3A_489 : f32
      %reduce_max3A_491 = arith.constant true
      %reduce_max3A_492 = vector.broadcast %reduce_max3A_491 : i1 to vector<16xi1>
      %reduce_max3A_493 = tpu.scan <max>, %scan3A_440#5 masked %reduce_max3A_492 : vector<16xf32>, vector<16xi1> -> vector<16xf32>
      %reduce_max3A_494 = vector.extract %reduce_max3A_493[15] : f32 from vector<16xf32>
      %sub3A_495 = arith.subf %reduce_max3A_494, %reduce_max3A_335 : f32
      %add3A_496 = arith.constant 2.000000e-01 : f32
      %add3A_497 = arith.addf %sub3A_495, %add3A_496 : f32
      %max3A_498 = arith.constant 0.000000e+00 : f32
      %max3A_499 = arith.maximumf %add3A_497, %max3A_498 : f32
      %add3A_500 = arith.addf %add3A_490, %max3A_499 : f32
      %reduce_max3A_501 = arith.constant true
      %reduce_max3A_502 = vector.broadcast %reduce_max3A_501 : i1 to vector<16xi1>
      %reduce_max3A_503 = tpu.scan <max>, %scan3A_440#6 masked %reduce_max3A_502 : vector<16xf32>, vector<16xi1> -> vector<16xf32>
      %reduce_max3A_504 = vector.extract %reduce_max3A_503[15] : f32 from vector<16xf32>
      %sub3A_505 = arith.subf %reduce_max3A_504, %reduce_max3A_382 : f32
      %add3A_506 = arith.constant 2.000000e-01 : f32
      %add3A_507 = arith.addf %sub3A_505, %add3A_506 : f32
      %max3A_508 = arith.constant 0.000000e+00 : f32
      %max3A_509 = arith.maximumf %add3A_507, %max3A_508 : f32
      %add3A_510 = arith.addf %add3A_500, %max3A_509 : f32
      %reduce_max3A_511 = arith.constant true
      %reduce_max3A_512 = vector.broadcast %reduce_max3A_511 : i1 to vector<16xi1>
      %reduce_max3A_513 = tpu.scan <max>, %scan3A_440#7 masked %reduce_max3A_512 : vector<16xf32>, vector<16xi1> -> vector<16xf32>
      %reduce_max3A_514 = vector.extract %reduce_max3A_513[15] : f32 from vector<16xf32>
      %sub3A_515 = arith.subf %reduce_max3A_514, %reduce_max3A_429 : f32
      %add3A_516 = arith.constant 2.000000e-01 : f32
      %add3A_517 = arith.addf %sub3A_515, %add3A_516 : f32
      %max3A_518 = arith.constant 0.000000e+00 : f32
      %max3A_519 = arith.maximumf %add3A_517, %max3A_518 : f32
      %add3A_520 = arith.addf %add3A_510, %max3A_519 : f32
      %eq3A_521 = arith.constant 0 : i32
      %eq3A_522 = arith.cmpi eq, %rem3A_51, %eq3A_521 : i32
      %add3A_523 = arith.constant 3 : i32
      %add3A_524 = arith.addi %scan3A_49, %add3A_523 : i32
      %lt3A = arith.constant 4 : i32
      %lt3A_525 = arith.cmpi slt, %add3A_524, %lt3A : i32
      %and3A_526 = arith.andi %eq3A_522, %lt3A_525 : i1
      %convert_element_type3A_527 = arith.extui %and3A_526 : i1 to i32
      %cond3A_528 = arith.constant 0 : i32
      %cond3A_529 = arith.cmpi ne, %convert_element_type3A_527, %cond3A_528 : i32
      scf.if %cond3A_529 {
        %add3A_550 = arith.constant 24 : i32
        %add3A_551 = arith.addi %add3A_56, %add3A_550 : i32
        %dma_start3A_552 = arith.constant 0 : i32
        %dma_start3A_553 = arith.constant 0 : i32
        %dma_start3A_554 = tpu.memref_slice %arg5[%dma_start3A_552, %dma_start3A_553] : memref<24x4096xf32, #tpu.memory_space<vmem>> -> memref<8x4096xf32, #tpu.memory_space<vmem>>
        %dma_start3A_555 = arith.constant 0 : i32
        %dma_start3A_556 = tpu.memref_slice %arg2[%add3A_551, %dma_start3A_555] : memref<4096x4096xf32, #tpu.memory_space<hbm>> -> memref<8x4096xf32, #tpu.memory_space<hbm>>
        %dma_start3A_557 = arith.constant 0 : i32
        %dma_start3A_558 = arith.constant 0 : i32
        %dma_start3A_559 = tpu.memref_slice %arg5[%dma_start3A_557, %dma_start3A_558] : memref<24x4096xf32, #tpu.memory_space<vmem>> -> memref<8x4096xf32, #tpu.memory_space<vmem>>
        %dma_start3A_560 = arith.constant 0 : i32
        %dma_start3A_561 = tpu.memref_slice %arg2[%add3A_551, %dma_start3A_560] : memref<4096x4096xf32, #tpu.memory_space<hbm>> -> memref<8x4096xf32, #tpu.memory_space<hbm>>
        tpu.enqueue_dma source(%dma_start3A_561 : memref<8x4096xf32, #tpu.memory_space<hbm>>) target(%dma_start3A_559 : memref<8x4096xf32, #tpu.memory_space<vmem>>) target_semaphore(%arg7 : memref<!tpu.dma_semaphore, #tpu.memory_space<semaphore_mem>>)
      } else {
      }
      %eq3A_530 = arith.constant 1 : i32
      %eq3A_531 = arith.cmpi eq, %rem3A_51, %eq3A_530 : i32
      %add3A_532 = arith.constant 3 : i32
      %add3A_533 = arith.addi %scan3A_49, %add3A_532 : i32
      %lt3A_534 = arith.constant 4 : i32
      %lt3A_535 = arith.cmpi slt, %add3A_533, %lt3A_534 : i32
      %and3A_536 = arith.andi %eq3A_531, %lt3A_535 : i1
      %convert_element_type3A_537 = arith.extui %and3A_536 : i1 to i32
      %cond3A_538 = arith.constant 0 : i32
      %cond3A_539 = arith.cmpi ne, %convert_element_type3A_537, %cond3A_538 : i32
      scf.if %cond3A_539 {
        %add3A_550 = arith.constant 24 : i32
        %add3A_551 = arith.addi %add3A_56, %add3A_550 : i32
        %dma_start3A_552 = arith.constant 8 : i32
        %dma_start3A_553 = arith.constant 0 : i32
        %dma_start3A_554 = tpu.memref_slice %arg5[%dma_start3A_552, %dma_start3A_553] : memref<24x4096xf32, #tpu.memory_space<vmem>> -> memref<8x4096xf32, #tpu.memory_space<vmem>>
        %dma_start3A_555 = arith.constant 0 : i32
        %dma_start3A_556 = tpu.memref_slice %arg2[%add3A_551, %dma_start3A_555] : memref<4096x4096xf32, #tpu.memory_space<hbm>> -> memref<8x4096xf32, #tpu.memory_space<hbm>>
        %dma_start3A_557 = arith.constant 8 : i32
        %dma_start3A_558 = arith.constant 0 : i32
        %dma_start3A_559 = tpu.memref_slice %arg5[%dma_start3A_557, %dma_start3A_558] : memref<24x4096xf32, #tpu.memory_space<vmem>> -> memref<8x4096xf32, #tpu.memory_space<vmem>>
        %dma_start3A_560 = arith.constant 0 : i32
        %dma_start3A_561 = tpu.memref_slice %arg2[%add3A_551, %dma_start3A_560] : memref<4096x4096xf32, #tpu.memory_space<hbm>> -> memref<8x4096xf32, #tpu.memory_space<hbm>>
        tpu.enqueue_dma source(%dma_start3A_561 : memref<8x4096xf32, #tpu.memory_space<hbm>>) target(%dma_start3A_559 : memref<8x4096xf32, #tpu.memory_space<vmem>>) target_semaphore(%arg8 : memref<!tpu.dma_semaphore, #tpu.memory_space<semaphore_mem>>)
      } else {
      }
      %eq3A_540 = arith.constant 2 : i32
      %eq3A_541 = arith.cmpi eq, %rem3A_51, %eq3A_540 : i32
      %add3A_542 = arith.constant 3 : i32
      %add3A_543 = arith.addi %scan3A_49, %add3A_542 : i32
      %lt3A_544 = arith.constant 4 : i32
      %lt3A_545 = arith.cmpi slt, %add3A_543, %lt3A_544 : i32
      %and3A_546 = arith.andi %eq3A_541, %lt3A_545 : i1
      %convert_element_type3A_547 = arith.extui %and3A_546 : i1 to i32
      %cond3A_548 = arith.constant 0 : i32
      %cond3A_549 = arith.cmpi ne, %convert_element_type3A_547, %cond3A_548 : i32
      scf.if %cond3A_549 {
        %add3A_550 = arith.constant 24 : i32
        %add3A_551 = arith.addi %add3A_56, %add3A_550 : i32
        %dma_start3A_552 = arith.constant 16 : i32
        %dma_start3A_553 = arith.constant 0 : i32
        %dma_start3A_554 = tpu.memref_slice %arg5[%dma_start3A_552, %dma_start3A_553] : memref<24x4096xf32, #tpu.memory_space<vmem>> -> memref<8x4096xf32, #tpu.memory_space<vmem>>
        %dma_start3A_555 = arith.constant 0 : i32
        %dma_start3A_556 = tpu.memref_slice %arg2[%add3A_551, %dma_start3A_555] : memref<4096x4096xf32, #tpu.memory_space<hbm>> -> memref<8x4096xf32, #tpu.memory_space<hbm>>
        %dma_start3A_557 = arith.constant 16 : i32
        %dma_start3A_558 = arith.constant 0 : i32
        %dma_start3A_559 = tpu.memref_slice %arg5[%dma_start3A_557, %dma_start3A_558] : memref<24x4096xf32, #tpu.memory_space<vmem>> -> memref<8x4096xf32, #tpu.memory_space<vmem>>
        %dma_start3A_560 = arith.constant 0 : i32
        %dma_start3A_561 = tpu.memref_slice %arg2[%add3A_551, %dma_start3A_560] : memref<4096x4096xf32, #tpu.memory_space<hbm>> -> memref<8x4096xf32, #tpu.memory_space<hbm>>
        tpu.enqueue_dma source(%dma_start3A_561 : memref<8x4096xf32, #tpu.memory_space<hbm>>) target(%dma_start3A_559 : memref<8x4096xf32, #tpu.memory_space<vmem>>) target_semaphore(%arg9 : memref<!tpu.dma_semaphore, #tpu.memory_space<semaphore_mem>>)
      } else {
      }
      scf.yield %add3A_520 : f32
    }
    %scan3A_46 = arith.constant 4 : i32
    %broadcast_in_dim3A_47 = vector.broadcast %scan3A_45 : f32 to vector<16xf32>
    %swap3A = arith.constant 0 : index
    %swap3A_48 = tpu.vector_load %arg6[%swap3A] {strides = array<i32>} : memref<16xf32, #tpu.memory_space<vmem>>, vector<16xf32>,
    tpu.vector_store %arg6[%swap3A], %broadcast_in_dim3A_47 {strides = array<i32>} : memref<16xf32, #tpu.memory_space<vmem>>, vector<16xf32>,
    "tpu.region"() ({
      %run_scoped3A = tpu.sem_alloc : memref<!tpu.dma_semaphore, #tpu.memory_space<semaphore_mem>>
      %dma_start3A_49 = arith.constant 0 : i32
      %dma_start3A_50 = tpu.memref_slice %arg4[%add3A, %dma_start3A_49] : memref<32x16xf32, #tpu.memory_space<hbm>> -> memref<1x16xf32, #tpu.memory_space<hbm>>
      %dma_start3A_51 = tpu.memref_squeeze %dma_start3A_50 : memref<1x16xf32, #tpu.memory_space<hbm>> -> memref<16xf32, #tpu.memory_space<hbm>>
      %dma_start3A_52 = arith.constant 0 : i32
      %dma_start3A_53 = tpu.memref_slice %arg4[%add3A, %dma_start3A_52] : memref<32x16xf32, #tpu.memory_space<hbm>> -> memref<1x16xf32, #tpu.memory_space<hbm>>
      %dma_start3A_54 = tpu.memref_squeeze %dma_start3A_53 : memref<1x16xf32, #tpu.memory_space<hbm>> -> memref<16xf32, #tpu.memory_space<hbm>>
      tpu.enqueue_dma source(%arg6 : memref<16xf32, #tpu.memory_space<vmem>>) target(%dma_start3A_54 : memref<16xf32, #tpu.memory_space<hbm>>) target_semaphore(%run_scoped3A : memref<!tpu.dma_semaphore, #tpu.memory_space<semaphore_mem>>)
      %dma_wait3A = arith.constant 0 : i32
      %dma_wait3A_55 = tpu.memref_slice %arg4[%add3A, %dma_wait3A] : memref<32x16xf32, #tpu.memory_space<hbm>> -> memref<1x16xf32, #tpu.memory_space<hbm>>
      %dma_wait3A_56 = tpu.memref_squeeze %dma_wait3A_55 : memref<1x16xf32, #tpu.memory_space<hbm>> -> memref<16xf32, #tpu.memory_space<hbm>>
      %dma_wait3A_57 = arith.constant 0 : i32
      %dma_wait3A_58 = tpu.memref_slice %arg4[%add3A, %dma_wait3A_57] : memref<32x16xf32, #tpu.memory_space<hbm>> -> memref<1x16xf32, #tpu.memory_space<hbm>>
      %dma_wait3A_59 = tpu.memref_squeeze %dma_wait3A_58 : memref<1x16xf32, #tpu.memory_space<hbm>> -> memref<16xf32, #tpu.memory_space<hbm>>
      tpu.wait_dma2 semaphore(%run_scoped3A : memref<!tpu.dma_semaphore, #tpu.memory_space<semaphore_mem>>) src(%arg6 : memref<16xf32, #tpu.memory_space<vmem>>) dst(%dma_wait3A_59 : memref<16xf32, #tpu.memory_space<hbm>>)
      tpu.yield
    }) : () -> ()
    return
  }
}

module attributes {stable_mosaic.version = 14 : i64} {
  func.func @_tc_body(%arg0: i32, %arg1: memref<256x4096xf32, #tpu.memory_space<vmem>>, %arg2: memref<1x1xf32, #tpu.memory_space<smem>>) attributes {dimension_semantics = [#tpu.dimension_semantics<arbitrary>], iteration_bounds = array<i64: 8>, scalar_prefetch = 0 : i64, scratch_operands = 0 : i64, tpu.core_type = #tpu.core_type<tc>, window_params = [{transform_indices = @transform_0, window_bounds = array<i64: 256, 4096>}, {transform_indices = @transform_1, window_bounds = array<i64: 1, 1>}]} {
    %iota3A = tpu.iota {dimensions = array<i32: 0>} : vector<256x256xi32>
    %iota3A_0 = tpu.iota {dimensions = array<i32: 1>} : vector<256x256xi32>
    %eq3A = arith.cmpi eq, %iota3A, %iota3A_0 : vector<256x256xi32>
    %add3A = arith.constant 4 : i32
    %add3A_1 = arith.addi %arg0, %add3A : i32
    %mul3A = arith.constant 256 : i32
    %mul3A_2 = arith.muli %add3A_1, %mul3A : i32
    %get3A = arith.constant 0 : index
    %get3A_3 = arith.index_cast %mul3A_2 : i32 to index
    %get3A_4 = vector.load %arg1[%get3A, %get3A_3] : memref<256x4096xf32, #tpu.memory_space<vmem>>, vector<256x256xf32>
    %jit3A = arith.constant 0xFF800000 : f32
    %broadcast_in_dim3A = vector.broadcast %jit3A : f32 to vector<256x256xf32>
    %select_n3A = arith.select %eq3A, %get3A_4, %broadcast_in_dim3A : vector<256x256xi1>, vector<256x256xf32>
    %reduce_max3A = arith.constant dense<0xFF800000> : vector<256xf32>
    %reduce_max3A_5 = vector.multi_reduction <maximumf>, %select_n3A, %reduce_max3A [1] : vector<256x256xf32> to vector<256xf32>
    %jit3A_6 = arith.constant 0xFF800000 : f32
    %broadcast_in_dim3A_7 = vector.broadcast %jit3A_6 : f32 to vector<256x256xf32>
    %select_n3A_8 = arith.select %eq3A, %broadcast_in_dim3A_7, %get3A_4 : vector<256x256xi1>, vector<256x256xf32>
    %swap3A = arith.constant 0 : index
    %swap3A_9 = arith.index_cast %mul3A_2 : i32 to index
    %swap3A_10 = vector.load %arg1[%swap3A, %swap3A_9] : memref<256x4096xf32, #tpu.memory_space<vmem>>, vector<256x256xf32>
    tpu.vector_store %arg1[%swap3A, %swap3A_9], %select_n3A_8 {strides = array<i32>} : memref<256x4096xf32, #tpu.memory_space<vmem>>, vector<256x256xf32>,
    %get3A_11 = arith.constant 0 : index
    %get3A_12 = arith.constant 0 : index
    %get3A_13 = vector.load %arg1[%get3A_11, %get3A_12] : memref<256x4096xf32, #tpu.memory_space<vmem>>, vector<256x4096xf32>
    %reduce_max3A_14 = arith.constant dense<0xFF800000> : vector<256xf32>
    %reduce_max3A_15 = vector.multi_reduction <maximumf>, %get3A_13, %reduce_max3A_14 [1] : vector<256x4096xf32> to vector<256xf32>
    %sub3A = arith.subf %reduce_max3A_15, %reduce_max3A_5 : vector<256xf32>
    %add3A_16 = arith.constant 2.000000e-01 : f32
    %add3A_17 = vector.broadcast %add3A_16 : f32 to vector<256xf32>
    %add3A_18 = arith.addf %sub3A, %add3A_17 : vector<256xf32>
    %max3A = arith.constant 0.000000e+00 : f32
    %max3A_19 = vector.broadcast %max3A : f32 to vector<256xf32>
    %max3A_20 = arith.maximumf %add3A_18, %max3A_19 : vector<256xf32>
    %reduce_sum3A = vector.shape_cast %max3A_20 : vector<256xf32> to vector<1x256xf32>
    %reduce_sum3A_21 = arith.constant dense<0.000000e+00> : vector<1xf32>
    %reduce_sum3A_22 = vector.multi_reduction <add>, %reduce_sum3A, %reduce_sum3A_21 [1] : vector<1x256xf32> to vector<1xf32>
    %reduce_sum3A_23 = vector.shape_cast %reduce_sum3A_22 : vector<1xf32> to vector<1x1xf32>
    %reduce_sum3A_24 = vector.extract %reduce_sum3A_23[0, 0] : f32 from vector<1x1xf32>
    %eq3A_25 = arith.constant 0 : i32
    %eq3A_26 = arith.cmpi eq, %arg0, %eq3A_25 : i32
    %convert_element_type3A = arith.extui %eq3A_26 : i1 to i32
    %cond3A = arith.constant 0 : i32
    %cond3A_27 = arith.cmpi ne, %convert_element_type3A, %cond3A : i32
    scf.if %cond3A_27 {
      %swap3A_35 = arith.constant 0.000000e+00 : f32
      %swap3A_36 = arith.constant 0 : index
      %swap3A_37 = arith.constant 0 : index
      %swap3A_38 = memref.load %arg2[%swap3A_36, %swap3A_37] : memref<1x1xf32, #tpu.memory_space<smem>>
      memref.store %swap3A_35, %arg2[%swap3A_36, %swap3A_37] : memref<1x1xf32, #tpu.memory_space<smem>>
    } else {
    }
    %get3A_28 = arith.constant 0 : index
    %get3A_29 = arith.constant 0 : index
    %get3A_30 = memref.load %arg2[%get3A_28, %get3A_29] : memref<1x1xf32, #tpu.memory_space<smem>>
    %add3A_31 = arith.addf %get3A_30, %reduce_sum3A_24 : f32
    %swap3A_32 = arith.constant 0 : index
    %swap3A_33 = arith.constant 0 : index
    %swap3A_34 = memref.load %arg2[%swap3A_32, %swap3A_33] : memref<1x1xf32, #tpu.memory_space<smem>>
    memref.store %add3A_31, %arg2[%swap3A_32, %swap3A_33] : memref<1x1xf32, #tpu.memory_space<smem>>
    return
  }
  func.func @transform_0(%arg0: i32) -> (i32, i32) {
    %add3A = arith.constant 4 : i32
    %add3A_0 = arith.addi %arg0, %add3A : i32
    %c0_i32 = arith.constant 0 : i32
    %c0_i32_1 = arith.constant 0 : i32
    return %add3A_0, %c0_i32 : i32, i32
  }
  func.func @transform_1(%arg0: i32) -> (i32, i32) {
    %c0_i32 = arith.constant 0 : i32
    %c0_i32_0 = arith.constant 0 : i32
    %c0_i32_1 = arith.constant 0 : i32
    return %c0_i32, %c0_i32_0 : i32, i32
  }
}

module attributes {stable_mosaic.version = 14 : i64} {
  func.func @_tc_body(%arg0: i32, %arg1: memref<256x4096xf32, #tpu.memory_space<vmem>>, %arg2: memref<1x1xf32, #tpu.memory_space<smem>>) attributes {dimension_semantics = [#tpu.dimension_semantics<arbitrary>], iteration_bounds = array<i64: 4>, scalar_prefetch = 0 : i64, scratch_operands = 0 : i64, tpu.core_type = #tpu.core_type<tc>, window_params = [{transform_indices = @transform_0, window_bounds = array<i64: 256, 4096>}, {transform_indices = @transform_1, window_bounds = array<i64: 1, 1>}]} {
    %iota3A = tpu.iota {dimensions = array<i32: 0>} : vector<256x256xi32>
    %iota3A_0 = tpu.iota {dimensions = array<i32: 1>} : vector<256x256xi32>
    %eq3A = arith.cmpi eq, %iota3A, %iota3A_0 : vector<256x256xi32>
    %add3A = arith.constant 0 : i32
    %add3A_1 = arith.addi %arg0, %add3A : i32
    %mul3A = arith.constant 256 : i32
    %mul3A_2 = arith.muli %add3A_1, %mul3A : i32
    %get3A = arith.constant 0 : index
    %get3A_3 = arith.index_cast %mul3A_2 : i32 to index
    %get3A_4 = vector.load %arg1[%get3A, %get3A_3] : memref<256x4096xf32, #tpu.memory_space<vmem>>, vector<256x256xf32>
    %jit3A = arith.constant 0xFF800000 : f32
    %broadcast_in_dim3A = vector.broadcast %jit3A : f32 to vector<256x256xf32>
    %select_n3A = arith.select %eq3A, %get3A_4, %broadcast_in_dim3A : vector<256x256xi1>, vector<256x256xf32>
    %reduce_max3A = arith.constant dense<0xFF800000> : vector<256xf32>
    %reduce_max3A_5 = vector.multi_reduction <maximumf>, %select_n3A, %reduce_max3A [1] : vector<256x256xf32> to vector<256xf32>
    %jit3A_6 = arith.constant 0xFF800000 : f32
    %broadcast_in_dim3A_7 = vector.broadcast %jit3A_6 : f32 to vector<256x256xf32>
    %select_n3A_8 = arith.select %eq3A, %broadcast_in_dim3A_7, %get3A_4 : vector<256x256xi1>, vector<256x256xf32>
    %swap3A = arith.constant 0 : index
    %swap3A_9 = arith.index_cast %mul3A_2 : i32 to index
    %swap3A_10 = vector.load %arg1[%swap3A, %swap3A_9] : memref<256x4096xf32, #tpu.memory_space<vmem>>, vector<256x256xf32>
    tpu.vector_store %arg1[%swap3A, %swap3A_9], %select_n3A_8 {strides = array<i32>} : memref<256x4096xf32, #tpu.memory_space<vmem>>, vector<256x256xf32>,
    %get3A_11 = arith.constant 0 : index
    %get3A_12 = arith.constant 0 : index
    %get3A_13 = vector.load %arg1[%get3A_11, %get3A_12] : memref<256x4096xf32, #tpu.memory_space<vmem>>, vector<256x4096xf32>
    %reduce_max3A_14 = arith.constant dense<0xFF800000> : vector<256xf32>
    %reduce_max3A_15 = vector.multi_reduction <maximumf>, %get3A_13, %reduce_max3A_14 [1] : vector<256x4096xf32> to vector<256xf32>
    %sub3A = arith.subf %reduce_max3A_15, %reduce_max3A_5 : vector<256xf32>
    %add3A_16 = arith.constant 2.000000e-01 : f32
    %add3A_17 = vector.broadcast %add3A_16 : f32 to vector<256xf32>
    %add3A_18 = arith.addf %sub3A, %add3A_17 : vector<256xf32>
    %max3A = arith.constant 0.000000e+00 : f32
    %max3A_19 = vector.broadcast %max3A : f32 to vector<256xf32>
    %max3A_20 = arith.maximumf %add3A_18, %max3A_19 : vector<256xf32>
    %reduce_sum3A = vector.shape_cast %max3A_20 : vector<256xf32> to vector<1x256xf32>
    %reduce_sum3A_21 = arith.constant dense<0.000000e+00> : vector<1xf32>
    %reduce_sum3A_22 = vector.multi_reduction <add>, %reduce_sum3A, %reduce_sum3A_21 [1] : vector<1x256xf32> to vector<1xf32>
    %reduce_sum3A_23 = vector.shape_cast %reduce_sum3A_22 : vector<1xf32> to vector<1x1xf32>
    %reduce_sum3A_24 = vector.extract %reduce_sum3A_23[0, 0] : f32 from vector<1x1xf32>
    %eq3A_25 = arith.constant 0 : i32
    %eq3A_26 = arith.cmpi eq, %arg0, %eq3A_25 : i32
    %convert_element_type3A = arith.extui %eq3A_26 : i1 to i32
    %cond3A = arith.constant 0 : i32
    %cond3A_27 = arith.cmpi ne, %convert_element_type3A, %cond3A : i32
    scf.if %cond3A_27 {
      %swap3A_35 = arith.constant 0.000000e+00 : f32
      %swap3A_36 = arith.constant 0 : index
      %swap3A_37 = arith.constant 0 : index
      %swap3A_38 = memref.load %arg2[%swap3A_36, %swap3A_37] : memref<1x1xf32, #tpu.memory_space<smem>>
      memref.store %swap3A_35, %arg2[%swap3A_36, %swap3A_37] : memref<1x1xf32, #tpu.memory_space<smem>>
    } else {
    }
    %get3A_28 = arith.constant 0 : index
    %get3A_29 = arith.constant 0 : index
    %get3A_30 = memref.load %arg2[%get3A_28, %get3A_29] : memref<1x1xf32, #tpu.memory_space<smem>>
    %add3A_31 = arith.addf %get3A_30, %reduce_sum3A_24 : f32
    %swap3A_32 = arith.constant 0 : index
    %swap3A_33 = arith.constant 0 : index
    %swap3A_34 = memref.load %arg2[%swap3A_32, %swap3A_33] : memref<1x1xf32, #tpu.memory_space<smem>>
    memref.store %add3A_31, %arg2[%swap3A_32, %swap3A_33] : memref<1x1xf32, #tpu.memory_space<smem>>
    return
  }
  func.func @transform_0(%arg0: i32) -> (i32, i32) {
    %add3A = arith.constant 0 : i32
    %add3A_0 = arith.addi %arg0, %add3A : i32
    %c0_i32 = arith.constant 0 : i32
    %c0_i32_1 = arith.constant 0 : i32
    return %add3A_0, %c0_i32 : i32, i32
  }
  func.func @transform_1(%arg0: i32) -> (i32, i32) {
    %c0_i32 = arith.constant 0 : i32
    %c0_i32_0 = arith.constant 0 : i32
    %c0_i32_1 = arith.constant 0 : i32
    return %c0_i32, %c0_i32_0 : i32, i32
  }
}

</mosaic_0001>

<sc_bundles>
// kernel: kernel.5.cloned.1.call-start
scs
__scs_entry_jumppad:
0x0: {  	(pc) =	sbr.rel $0x88, $3  }
0x1: {  	(tag) =	ssettag $0x0;
	lr =	simm.s32 $0x1  }
0x2: {  	[smem:$0x3FA0] =	sst lr;
	_ =	strace $0xD0000000  }
0x3: {  	_ = 	snop  }
0x4: {  	_ = 	snop  }
0x5: {  	_ = 	snop  }
0x6: {  	_ = 	snop  }
0x7: {  	_ = 	snop  }
__scs_overlays_trampoline_lowered:
0x8: {  	[smem:$0x3FAF] =	sst s0  }
0x9: {  	[smem:$0x3FB0] =	sst s1  }
0xa: {  	[smem:$0x3FB1] =	sst s2  }
0xb: {  	[smem:$0x3FB2] =	sst s3  }
0xc: {  	[smem:$0x3FB3] =	sst s4  }
0xd: {  	[smem:$0x3FB4] =	sst s5  }
0xe: {  	[smem:$0x3FB5] =	sst s6  }
0xf: {  	[smem:$0x3FB6] =	sst s7  }
0x10: {  	[smem:$0x3FB7] =	sst s8  }
0x11: {  	[smem:$0x3FB8] =	sst s9;
	s0 =	simm.s32 @!p0 $0x0  }
0x12: {  	s1 =	sld [smem:$0x3F9E];
	s0 =	simm.s32 @p0 $0x1  }
0x13: {  	[smem:$0x3FB9] =	sst s0;
	s0 =	simm.s32 @!p1 $0x0  }
0x14: {  	s2 =	sld [smem:$0x3F9D];
	s0 =	simm.s32 @p1 $0x1  }
0x15: {  	[smem:$0x3FBA] =	sst s0;
	s0 =	simm.s32 @!p2 $0x0  }
0x16: {  	s3 =	sld [smem:$0x3FDB];
	s0 =	simm.s32 @p2 $0x1  }
0x17: {  	s4 =	simm.s32 $0x1BF5;
	[smem:$0x3FBC] =	sst s0  }
0x18: {  	s0 =	sld [smem:$0x3F9F];
	_ =	swait.ge [sflag:s4], $0x0  }
0x19: {  	s7 =	sld [smem:$0x3FA0]  }
0x1a: {  	s8 =	sadd.s32 $0xFFFFE003, lr  }
0x1b: {  	s9 =	sadd.s32 $0xFFFFFEF7, lr;
	s5 =	simm.s32 $0xFFFFFFFF;
	p2 =	slt.u32 s8, $0xFFFFF086  }
0x1c: {  	p1 =	slt.u32 s9, $0xF7A;
	s5 =	simm.s32 @!p2 $0x0  }
0x1d: {  	s5 =	simm.s32 @p1 $0x1;
	p0 =	seq.s32 s7, s2  }
0x1e: {  	s7 =	smul.u32 @!p0 $0xF7A, s2;
	p2 =	seq.s32 @!p0 s5, $0x0  }
0x1f: {  	s9 =	smul.u32 $0xF7A, s1;
	s8 =	simm.s32 @!p0 $0x1BF5;
	p2 =	por !p2, p0  }
0x20: {  	[sflag:s8] =	ssyncset.s32 @!p0 $0xFFFFF086;
	s6 =	sadd.s32 @!p0 s3, s7;
	s7 =	simm.s32 @!p0 $0x108  }
0x21: {  	s3 =	sadd.s32 s3, s9;
	s6 =	sadd.s32 @!p0 $0x88, s6;
	s7 =	simm.s32 @p2 $0x1082  }
0x22: {  	[simem:s7], [sflag:s8] =	dma.local @!p0 [hbm:s6], $0xF7A  }
0x23: {  	s9 =	sor.u32 $0xD0000000, s2;
	s6 =	simm.s32 $0x108;
	_ =	swait.ge @!p0 [sflag:s8], $0x0  }
0x24: {  	s3 =	sadd.s32 $0x88, s3;
	s6 =	simm.s32 @!p1 $0x1082;
	[sflag:s4] =	ssyncset.s32 $0xFFFFF086  }
0x25: {  	[simem:s6], [sflag:s4] =	dma.local [hbm:s3], $0xF7A  }
0x26: {  	[smem:$0x3FA0] =	sst s1;
	(tag) =	ssettag s2;
	_ =	strace s9  }
0x27: {  	s1 =	sld [smem:$0x3FB0]  }
0x28: {  	s2 =	sld [smem:$0x3FB1]  }
0x29: {  	s4 =	sld [smem:$0x3FB3]  }
0x2a: {  	p0 =	seq.s32 s5, $0x0;
	s5 =	sld [smem:$0x3FB4]  }
0x2b: {  	s6 =	sld [smem:$0x3FB5]  }
0x2c: {  	s7 =	sld [smem:$0x3FB6]  }
0x2d: {  	s3 =	simm.s32 $0x108;
	s8 =	sld [smem:$0x3FB7]  }
0x2e: {  	s3 =	simm.s32 @!p0 $0x1082;
	s9 =	sld [smem:$0x3FB8]  }
0x2f: {  	lr =	sadd.s32 s0, s3;
	s0 =	sld [smem:$0x3FAF]  }
0x30: {  	s3 =	sld [smem:$0x3FB2]  }
0x31: {  	[smem:$0x3FBB] =	sst s10  }
0x32: {  	s10 =	sld [smem:$0x3FB9];
	_ =	sdelay $0x3  }
0x33: {  	p0 =	seq.s32 s10, $0x1;
	s10 =	sld [smem:$0x3FBB];
	_ =	sdelay $0x3  }
0x34: {  	[smem:$0x3FBB] =	sst s10  }
0x35: {  	s10 =	sld [smem:$0x3FBA];
	_ =	sdelay $0x3  }
0x36: {  	p1 =	seq.s32 s10, $0x1;
	s10 =	sld [smem:$0x3FBB];
	_ =	sdelay $0x3  }
0x37: {  	[smem:$0x3FBB] =	sst s10  }
0x38: {  	s10 =	sld [smem:$0x3FBC]  }
0x39: {  	_ = 	snop;
	(pc) =	sbr.ind lr, $3  }
0x3a: {  	_ = 	snop  }
0x3b: {  	_ = 	snop  }
0x3c: {  	p2 =	seq.s32 s10, $0x1;
	s10 =	sld [smem:$0x3FBB]  }
0x3d: {  	_ =	shalt  }
0x3e: {  	_ =	shalt  }
0x3f: {  	_ =	shalt  }
0x40: {  	_ =	shalt  }
0x41: {  	_ =	shalt  }
0x42: {  	_ =	shalt  }
0x43: {  	_ =	shalt  }
0x44: {  	_ =	shalt  }
0x45: {  	_ =	shalt  }
0x46: {  	_ =	shalt  }
0x47: {  	_ =	shalt  }
0x48: {  	_ =	shalt  }
0x49: {  	_ =	shalt  }
0x4a: {  	_ =	shalt  }
0x4b: {  	_ =	shalt  }
0x4c: {  	_ =	shalt  }
0x4d: {  	_ =	shalt  }
0x4e: {  	_ =	shalt  }
0x4f: {  	_ =	shalt  }
0x50: {  	_ =	shalt  }
0x51: {  	_ =	shalt  }
0x52: {  	_ =	shalt  }
0x53: {  	_ =	shalt  }
0x54: {  	_ =	shalt  }
0x55: {  	_ =	shalt  }
0x56: {  	_ =	shalt  }
0x57: {  	_ =	shalt  }
0x58: {  	_ =	shalt  }
0x59: {  	_ =	shalt  }
0x5a: {  	_ =	shalt  }
0x5b: {  	_ =	shalt  }
0x5c: {  	_ =	shalt  }
0x5d: {  	_ =	shalt  }
0x5e: {  	_ =	shalt  }
0x5f: {  	_ =	shalt  }
0x60: {  	_ =	shalt  }
0x61: {  	_ =	shalt  }
0x62: {  	_ =	shalt  }
0x63: {  	_ =	shalt  }
0x64: {  	_ =	shalt  }
0x65: {  	_ =	shalt  }
0x66: {  	_ =	shalt  }
0x67: {  	_ =	shalt  }
0x68: {  	_ =	shalt  }
0x69: {  	_ =	shalt  }
0x6a: {  	_ =	shalt  }
0x6b: {  	_ =	shalt  }
0x6c: {  	_ =	shalt  }
0x6d: {  	_ =	shalt  }
0x6e: {  	_ =	shalt  }
0x6f: {  	_ =	shalt  }
0x70: {  	_ =	shalt  }
0x71: {  	_ =	shalt  }
0x72: {  	_ =	shalt  }
0x73: {  	_ =	shalt  }
0x74: {  	_ =	shalt  }
0x75: {  	_ =	shalt  }
0x76: {  	_ =	shalt  }
0x77: {  	_ =	shalt  }
0x78: {  	_ =	shalt  }
0x79: {  	_ =	shalt  }
0x7a: {  	_ =	shalt  }
0x7b: {  	_ =	shalt  }
0x7c: {  	_ =	shalt  }
0x7d: {  	_ =	shalt  }
0x7e: {  	_ =	shalt  }
0x7f: {  	_ =	shalt  }
0x80: {  	_ =	shalt  }
0x81: {  	_ =	shalt  }
0x82: {  	_ =	shalt  }
0x83: {  	_ =	shalt  }
0x84: {  	_ =	shalt  }
0x85: {  	_ =	shalt  }
0x86: {  	_ =	shalt  }
0x87: {  	_ =	shalt  }
.Lfunc_end0:
.L_simem_size_0:
called_computation_lowered:
.L_overlay_start_0:
0x88: {  	s2 =	sld [smem:$0x3FD9]  }
0x89: {  	s3 =	sld [smem:$0x3FFE];
	_ =	sdelay $0x1  }
0x8a: {  	s1 =	srdreg.scid  }
0x8b: {  	s0 =	sand.u32 $0x1, s1  }
0x8c: {  	s17 =	sshll.u32 s0, $0xA;
	s2 =	sadd.s32 s3, s2  }
0x8d: {  	s2 =	sadd.s32 s2, s17  }
0x8e: {  	[smem:$0x3FC7] =	sst s2  }
0x8f: {  	_ = 	snop  }
0x90: {  	s2 =	sld [smem:$0x3FC9];
	(tm) =	ssettm $0x1  }
0x91: {  	s18 =	sld [smem:$0x3FFB];
	_ =	sdelay $0x3  }
0x92: {  	_ =	strace s18  }
0x93: {  	s3 =	sld [smem:$0x3FFC];
	_ =	sdelay $0x3  }
0x94: {  	_ =	strace s3  }
0x95: {  	s3 =	sld [smem:$0x3FFD];
	_ =	sdelay $0x3  }
0x96: {  	_ =	strace s3  }
0x97: {  	_ =	strace $0x8FFFFFFF  }
0x98: {  	s19 =	sld [smem:$0x3FDB];
	_ =	sdelay $0x1  }
0x99: {  	s4 =	simm.s32 $_scs_section_size  }
0x9a: {  	s5 =	simm.s32 $_size__tile_overlayer_lowered;
	s6 =	simm.s32 $_tile_overlayer_lowered  }
0x9b: {  	s22 =	simm.s32 $0x1BFF;
	s21 =	sshll.u32 s6, $0x1;
	s3 =	sadd.s32 s4, s19  }
0x9c: {  	s7 =	simm.s32 $0x0;
	s20 =	sshll.u32 s5, $0x1;
	s5 =	sadd.s32 s21, s3  }
0x9d: {  	[timem:s7], [sflag:s22] =	dma.local [hbm:s5], s20  }
0x9e: {  	_ =	swait.ge [sflag:s22], s20  }
0x9f: {  	s4 =	ssub.s32 $0x0, s20;
	[sflag:s22] =	ssyncset.done $0x0  }
0xa0: {  	[sflag:s22] =	ssyncadd.s32 s4;
	_ =	sdelay $0x1  }
0xa1: {  	s23 =	simm.s32 $0x1B8B  }
0xa2: {  	_ =	swait.ge [sflag:s23], $0x1  }
0xa3: {  	[sflag:s23] =	ssyncset.done $0x0  }
0xa4: {  	s25 =	simm.s32 $0x1B8E;
	s24 =	sld [smem:$0x3FFE];
	[sflag:s23] =	ssyncadd.s32 $0xFFFFFFFF  }
0xa5: {  	s26 =	simm.s32 $execute0_lowered;
	[smem:$0x3FD2] =	sst s25  }
0xa6: {  	s5 =	sshll.u32 s26, $0x1;
	_ =	strace $0x80000046;
	[dreg:$0x1] =	wrdreg $0xFFFFFFFF  }
0xa7: {  	s28 =	simm.s32 $_size_execute0_lowered;
	s3 =	sadd.s32 s3, s5;
	[dreg:$0x0] =	wrdreg $0x0  }
0xa8: {  	s5 =	sshll.u32 s28, $0x1;
	[dreg:$0x2] =	wrdreg s3  }
0xa9: {  	[dreg:$0x3] =	wrdreg s5  }
0xaa: {  	[dreg:$0x4] =	wrdreg $0xC0  }
0xab: {  	_ =	task [dreg:s7], $0x5FFFF  }
0xac: {  	[dreg:$0x1] =	wrdreg $0xFFFFFFFF  }
0xad: {  	[dreg:$0x0] =	wrdreg $0x60  }
0xae: {  	[dreg:$0x2] =	wrdreg s2  }
0xaf: {  	[dreg:$0x3] =	wrdreg s24  }
0xb0: {  	[dreg:$0x4] =	wrdreg $0x9  }
0xb1: {  	_ =	task.clear_ibuf [dreg:s7], $0x5FFFF;
	_ =	strace $0x90000046  }
0xb2: {  	s29 =	simm.s32 $0x9;
	_ =	strace $0x80000048  }
0xb3: {  	_ =	swait.ge [sflag:s29], $0x1  }
0xb4: {  	[sflag:s29] =	ssyncadd.s32 $0xFFFFFFFF  }
0xb5: {  	_ =	strace $0x90000048  }
0xb6: {  	_ =	sfence  }
0xb7: {  	s30 =	sld [smem:$0x0];
	_ =	sdelay $0x2  }
0xb8: {  	s31 =	sshll.u32 s1, $0xD;
	s1 =	sshrl.u32 s1, $0x2  }
0xb9: {  	s3 =	sand.u32 $0x4000, s31;
	s1 =	sadd.s32 s1, s30  }
0xba: {  	s0 =	sor.u32 s3, s0;
	s1 =	sshll.u32 s1, $0x11  }
0xbb: {  	s0 =	sor.u32 s1, s0  }
0xbc: {  	s0 =	sadd.s32 $0x8F2B, s0  }
0xbd: {  	[sflag:s0] =	ssyncadd.remote.s32 $0x1  }
0xbe: {  	_ =	sfence.sel $0xFFFF  }
0xbf: {  	[dreg:$0x0] =	wrdreg $0xFFFFFFFF;
	(pc) =	sbr.abs _section_cstart, $3  }
0xc0: {  	[dreg:$0x1] =	wrdreg $0xFFFFFFFF  }
0xc1: {  	_ =	task.clear_ibuf [dreg:s7], $0x2FFFF;
	_ =	strace $0x9FFFFFFF  }
0xc2: {  	(tm) =	ssettm $0x7FFFFFFF  }
0xc3: {  	_ =	shalt  }
tec
execute0_lowered:
.L_overlay_start_1:
0x0: {  	(tag) =	ssettag $0x1  }
0x1: {  	s4 =	rddreg [dreg:$0x0]  }
0x2: {  	s9 =	rddreg [dreg:$0x1]  }
0x3: {  	s0 =	rddreg [dreg:$0x2]  }
0x4: {  	s3 =	srdreg.scid;
	s1 =	stileid.u32;
	s2 =	simm.s32 $0x0  }
0x5: {  	s13 =	simm.s32 $0x18000;
	s14 =	simm.s32 $0x4;
	s15 =	simm.s32 $0x0  }
0x6: {  	s3 =	sand.u32 $0x1, s3;
	s5 =	sshll.u32 s1, $0x1;
	[smem:$0x7FF] =	sst s2  }
0x7: {  	s7 =	sor.u32 s3, s5;
	_ =	strace $0x80000047;
	s6 =	ssub.s32 $0x2, s3  }
0x8: {  	s5 =	sshll.u32 s7, $0x5;
	s29 =	sshll.u32 s7, $0xE;
	s8 =	sshrl.u32 s6, $0x1  }
0x9: {  	s31 =	sshll.u32 s7, $0x4;
	s3 =	sor.u32 $0xC00, s5;
	s11 =	sadd.s32 s29, s4  }
0xa: {  	s12 =	ssub.s32 s6, s8;
	s9 =	sadd.s32 s9, s31;
	s10 =	sshll.u32 s3, $0x9  }
0xb: {  	s5 =	sadd.s32 $0x181000, s11;
	s6 =	sadd.s32 $0x182000, s11;
	s30 =	sshll.u32 s3, $0x3  }
0xc: {  	s11 =	simm.s32 $0x8000;
	s4 =	sadd.s32 s4, s10;
	s7 =	sand.u32 $0x7C00, s30  }
0xd: {  	v0 =	vlaneseq.u32;
	s10 =	smax.u32 s12, $0x1;
	s12 =	simm.s32 $0x10000;
	s8 =	sadd.s32 $0x3000, s4  }
.LBB2_1:
0xe: {  	[tilespmem:s2], [sflag:$0x1] =	stream.linear.gather [hbm4b:s4+s2], $0x8000, $0x38;
	[tilespmem:$0x18080] =	vst v63  }
0xf: {  	_ = 	snop  }
0x10: {  	[tilespmem:s11], [sflag:$0x2] =	stream.linear.gather [hbm4b:s5+s2], $0x8000, $0x38;
	[tilespmem:$0x18080] =	vst v63  }
0x11: {  	s17 =	simm.f32 $0.0e+00;
	s16 =	simm.s32 $0x0  }
0x12: {  	[tilespmem:s12], [sflag:$0x3] =	stream.linear.gather [hbm4b:s6+s2], $0x8000, $0x38;
	[tilespmem:$0x18080] =	vst v63  }
.LBB2_2:
0x13: {  	p0 =	seq.s32 s16, $0x3;
	s18 =	smov.u32 s16  }
0x14: {  	s18 =	simm.s32 @p0 $0x0  }
0x15: {  	p0 =	sgt.s32 s18, $0x1  }
.Ltmp0:
0x16: {  	_ = 	snop;
	(pc) =	sbr.rel @p0 .LBB2_4-.Ltmp0, $1  }
0x17: {  	_ =	sdelay $0x3  }
.Ltmp1:
0x18: {  	(pc) =	sbr.rel .LBB2_6-.Ltmp1, $4  }
0x19: {  	_ = 	snop  }
0x1a: {  	p0 =	seq.s32 s18, $0x0  }
0x1b: {  	s19 =	simm.s32 @!p0 $0x2  }
0x1c: {  	s19 =	simm.s32 @p0 $0x1  }
.LBB2_4:
0x1d: {  	p0 =	seq.s32 s18, $0x2  }
.Ltmp2:
0x1e: {  	_ = 	snop;
	(pc) =	sbr.rel @!p0 .LBB2_7-.Ltmp2, $1  }
0x1f: {  	_ =	sdelay $0x3  }
0x20: {  	s19 =	simm.s32 $0x3  }
.LBB2_6:
0x21: {  	_ =	swait.ge [sflag:s19], $0x8000  }
0x22: {  	[sflag:s19] =	ssyncset.done $0x0  }
0x23: {  	[sflag:s19] =	ssyncadd.s32 $0xFFFF8000  }
.LBB2_7:
0x24: {  	s19 =	sshll.u32 s16, $0x3;
	s18 =	sshll.u32 s18, $0xF  }
0x25: {  	s20 =	sor.u32 s3, s19;
	s18 =	sand.u32 $0x3FFF8000, s18  }
0x26: {  	s21 =	sand.u32 $0x70, s20;
	s22 =	sor.u32 s7, s18  }
0x27: {  	s21 =	sadd.s32 s21, s22  }
0x28: {  	v9 =	vld [tilespmem:s21+$0x0]  }
0x29: {  	s19 =	sand.u32 $0x8, s19;
	v5 =	vld [tilespmem:s21+$0x80]  }
0x2a: {  	s29 =	sor.u32 $0x1, s20;
	s23 =	sand.u32 $0x7FFFFFF0, s20;
	s30 =	sor.u32 $0x2, s20;
	v4 =	vld [tilespmem:s21+$0x100]  }
0x2b: {  	v1 =	vmov s19;
	s24 =	sor.u32 $0x4, s20;
	s22 =	ssub.s32 s29, s23;
	s19 =	ssub.s32 s30, s23;
	v3 =	vld [tilespmem:s21+$0x180]  }
0x2c: {  	s31 =	sor.u32 $0x3, s20;
	vm1 =	veq.s32 v1, v0;
	s25 =	ssub.s32 s24, s23;
	v6 =	vmov s22;
	v2 =	vld [tilespmem:s21+$0x200];
	v1 =	vmov s19  }
0x2d: {  	s26 =	sor.u32 $0x5, s20;
	s22 =	ssub.s32 s31, s23;
	v10 =	vmov s25;
	vm0 =	veq.s32 v6, v0;
	v6 =	vld [tilespmem:s21+$0x280];
	v7 =	vsel vm1, $0xFF800000, v9  }
0x2e: {  	s19 =	ssub.s32 s26, s23;
	vm3 =	veq.s32 v1, v0;
	v1 =	vmov s22;
	v8 =	vsel vm0, $0xFF800000, v5;
	[tilespmem:s21+$0x0] =	vst v7;
	v7 =	vld [tilespmem:s21+$0x300]  }
0x2f: {  	s28 =	sor.u32 $0x6, s20;
	vm4 =	veq.s32 v1, v0;
	v1 =	vmov s19;
	v11 =	vsel vm3, $0xFF800000, v4;
	[tilespmem:s21+$0x80] =	vst v8;
	v8 =	vld [tilespmem:s21+$0x380]  }
0x30: {  	s20 =	sor.u32 $0x7, s20;
	s18 =	sor.u32 $0x200, s18;
	s29 =	ssub.s32 s28, s23;
	vm2 =	veq.s32 v10, v0;
	vm6 =	veq.s32 v1, v0;
	v10 =	vsel vm4, $0xFF800000, v3;
	[tilespmem:s21+$0x100] =	vst v11  }
0x31: {  	s30 =	ssub.s32 s20, s23;
	v1 =	vmov s18;
	v11 =	vsel vm2, $0xFF800000, v2;
	[tilespmem:s21+$0x180] =	vst v10;
	v10 =	vmov s29  }
0x32: {  	[tilespmem:s21+$0x200] =	vst v11;
	v11 =	vsel vm6, $0xFF800000, v6;
	vm7 =	veq.s32 v10, v0;
	v10 =	vmov s30  }
0x33: {  	[tilespmem:s21+$0x280] =	vst v11;
	vm5 =	veq.s32 v10, v0;
	v11 =	vsel vm7, $0xFF800000, v7  }
0x34: {  	v10 =	vsel vm5, $0xFF800000, v8;
	[tilespmem:s21+$0x300] =	vst v11  }
0x35: {  	s31 =	simm.s32 $0x0;
	[tilespmem:s21+$0x380] =	vst v10  }
0x36: {  	v10 =	vld.idx.msk [tilespmem:v1+s31+$0x180 ss:$0x1], $0xffff  }
0x37: {  	v11 =	vld.idx.msk [tilespmem:v1+s31+$0x190 ss:$0x1], $0xffff  }
0x38: {  	v12 =	vld.idx.msk [tilespmem:v1+s31+$0x1A0 ss:$0x1], $0xffff  }
0x39: {  	v13 =	vld.idx.msk [tilespmem:v1+s31+$0x1B0 ss:$0x1], $0xffff  }
0x3a: {  	v14 =	vld.idx.msk [tilespmem:v1+s31+$0x1C0 ss:$0x1], $0xffff  }
0x3b: {  	v15 =	vld.idx.msk [tilespmem:v1+s31+$0x1D0 ss:$0x1], $0xffff  }
0x3c: {  	v16 =	vld.idx.msk [tilespmem:v1+s31+$0x1E0 ss:$0x1], $0xffff  }
0x3d: {  	v17 =	vld.idx.msk [tilespmem:v1+s31+$0x1F0 ss:$0x1], $0xffff  }
0x3e: {  	v18 =	vld.idx.msk [tilespmem:v1+s31+$0xFFFFFE00 ss:$0x1], $0xffff  }
0x3f: {  	v19 =	vld.idx.msk [tilespmem:v1+s31+$0xFFFFFE10 ss:$0x1], $0xffff  }
0x40: {  	v20 =	vld.idx.msk [tilespmem:v1+s31+$0xFFFFFE20 ss:$0x1], $0xffff  }
0x41: {  	v21 =	vld.idx.msk [tilespmem:v1+s31+$0xFFFFFE30 ss:$0x1], $0xffff  }
0x42: {  	v22 =	vld.idx.msk [tilespmem:v1+s31+$0xFFFFFE40 ss:$0x1], $0xffff  }
0x43: {  	v23 =	vld.idx.msk [tilespmem:v1+s31+$0xFFFFFE50 ss:$0x1], $0xffff  }
0x44: {  	v24 =	vld.idx.msk [tilespmem:v1+s31+$0xFFFFFE60 ss:$0x1], $0xffff  }
0x45: {  	v25 =	vld.idx.msk [tilespmem:v1+s31+$0xFFFFFE70 ss:$0x1], $0xffff  }
0x46: {  	v26 =	vld.idx.msk [tilespmem:v1+s31+$0xFFFFFE80 ss:$0x1], $0xffff  }
0x47: {  	v27 =	vld.idx.msk [tilespmem:v1+s31+$0xFFFFFE90 ss:$0x1], $0xffff  }
0x48: {  	v28 =	vld.idx.msk [tilespmem:v1+s31+$0xFFFFFEA0 ss:$0x1], $0xffff  }
0x49: {  	v29 =	vld.idx.msk [tilespmem:v1+s31+$0xFFFFFEB0 ss:$0x1], $0xffff  }
0x4a: {  	v30 =	vld.idx.msk [tilespmem:v1+s31+$0xFFFFFEC0 ss:$0x1], $0xffff  }
0x4b: {  	v31 =	vld.idx.msk [tilespmem:v1+s31+$0xFFFFFED0 ss:$0x1], $0xffff  }
0x4c: {  	v32 =	vld.idx.msk [tilespmem:v1+s31+$0xFFFFFEE0 ss:$0x1], $0xffff  }
0x4d: {  	v33 =	vld.idx.msk [tilespmem:v1+s31+$0xFFFFFEF0 ss:$0x1], $0xffff  }
0x4e: {  	v34 =	vld.idx.msk [tilespmem:v1+s31+$0xFFFFFF00 ss:$0x1], $0xffff  }
0x4f: {  	v35 =	vld.idx.msk [tilespmem:v1+s31+$0xFFFFFF10 ss:$0x1], $0xffff  }
0x50: {  	v36 =	vld.idx.msk [tilespmem:v1+s31+$0xFFFFFF20 ss:$0x1], $0xffff  }
0x51: {  	v37 =	vld.idx.msk [tilespmem:v1+s31+$0xFFFFFF30 ss:$0x1], $0xffff  }
0x52: {  	v38 =	vld.idx.msk [tilespmem:v1+s31+$0xFFFFFF40 ss:$0x1], $0xffff  }
0x53: {  	v39 =	vld.idx.msk [tilespmem:v1+s31+$0xFFFFFF50 ss:$0x1], $0xffff  }
0x54: {  	v40 =	vld.idx.msk [tilespmem:v1+s31+$0xFFFFFF60 ss:$0x1], $0xffff  }
0x55: {  	v41 =	vld.idx.msk [tilespmem:v1+s31+$0xFFFFFF70 ss:$0x1], $0xffff  }
0x56: {  	v42 =	vld.idx.msk [tilespmem:v1+s31+$0xFFFFFF80 ss:$0x1], $0xffff  }
0x57: {  	v43 =	vld.idx.msk [tilespmem:v1+s31+$0xFFFFFF90 ss:$0x1], $0xffff  }
0x58: {  	v44 =	vld.idx.msk [tilespmem:v1+s31+$0xFFFFFFA0 ss:$0x1], $0xffff  }
0x59: {  	v45 =	vld.idx.msk [tilespmem:v1+s31+$0xFFFFFFB0 ss:$0x1], $0xffff  }
0x5a: {  	v46 =	vld.idx.msk [tilespmem:v1+s31+$0xFFFFFFC0 ss:$0x1], $0xffff  }
0x5b: {  	v47 =	vld.idx.msk [tilespmem:v1+s31+$0xFFFFFFD0 ss:$0x1], $0xffff  }
0x5c: {  	v48 =	vld.idx.msk [tilespmem:v1+s31+$0xFFFFFFE0 ss:$0x1], $0xffff  }
0x5d: {  	v49 =	vld.idx.msk [tilespmem:v1+s31+$0xFFFFFFF0 ss:$0x1], $0xffff  }
0x5e: {  	v50 =	vld.idx.msk [tilespmem:v1+s31+$0x0 ss:$0x1], $0xffff  }
0x5f: {  	v51 =	vld.idx.msk [tilespmem:v1+s31+$0x10 ss:$0x1], $0xffff  }
0x60: {  	v52 =	vld.idx.msk [tilespmem:v1+s31+$0x20 ss:$0x1], $0xffff  }
0x61: {  	v53 =	vld.idx.msk [tilespmem:v1+s31+$0x30 ss:$0x1], $0xffff  }
0x62: {  	v54 =	vld.idx.msk [tilespmem:v1+s31+$0x40 ss:$0x1], $0xffff  }
0x63: {  	v55 =	vld.idx.msk [tilespmem:v1+s31+$0x50 ss:$0x1], $0xffff  }
0x64: {  	v56 =	vld.idx.msk [tilespmem:v1+s31+$0x60 ss:$0x1], $0xffff  }
0x65: {  	v57 =	vld.idx.msk [tilespmem:v1+s31+$0x70 ss:$0x1], $0xffff  }
0x66: {  	v58 =	vld.idx.msk [tilespmem:v1+s31+$0x80 ss:$0x1], $0xffff  }
0x67: {  	v61 =	vld.idx.msk [tilespmem:v1+s31+$0x160 ss:$0x1], $0xffff  }
0x68: {  	v62 =	vld.idx.msk [tilespmem:v1+s31+$0x170 ss:$0x1], $0xffff;
	v10 =	vmax.f32 v10, v11;
	v12 =	vmax.f32 v12, v13;
	v13 =	vmax.f32 v14, v15  }
0x69: {  	v11 =	vld.idx.msk [tilespmem:v1+s31+$0x90 ss:$0x1], $0xffff;
	v14 =	vmax.f32 v16, v17;
	v17 =	vmax.f32 v24, v25;
	v46 =	vmax.f32 v46, v47  }
0x6a: {  	v15 =	vld.idx.msk [tilespmem:v1+s31+$0xA0 ss:$0x1], $0xffff;
	v47 =	vmax.f32 v48, v49;
	v59 =	vmax.f32 v54, v55;
	v60 =	vmax.f32 v56, v57  }
0x6b: {  	v16 =	vld.idx.msk [tilespmem:v1+s31+$0xC0 ss:$0x1], $0xffff;
	v10 =	vmax.f32 v10, v12;
	v12 =	vmax.f32 v13, v14;
	v14 =	vmax.f32 v18, v19  }
0x6c: {  	v13 =	vld.idx.msk [tilespmem:v1+s31+$0xB0 ss:$0x1], $0xffff;
	v19 =	vmax.f32 v28, v29;
	v10 =	vmax.f32 v10, v12;
	v12 =	vmax.f32 v20, v21  }
0x6d: {  	v18 =	vld.idx.msk [tilespmem:v1+s31+$0xD0 ss:$0x1], $0xffff;
	v29 =	vmax.f32 v59, v60;
	v12 =	vmax.f32 v14, v12;
	v14 =	vmax.f32 v22, v23  }
0x6e: {  	v24 =	vld.idx.msk [tilespmem:v1+s31+$0x100 ss:$0x1], $0xffff;
	v21 =	vmax.f32 v32, v33;
	v14 =	vmax.f32 v14, v17;
	v17 =	vmax.f32 v26, v27  }
0x6f: {  	v48 =	vld.idx.msk [tilespmem:v1+s31+$0x130 ss:$0x1], $0xffff;
	v23 =	vmax.f32 v36, v37;
	v27 =	vmax.f32 v44, v45;
	v17 =	vmax.f32 v17, v19  }
0x70: {  	v20 =	vld.idx.msk [tilespmem:v1+s31+$0xE0 ss:$0x1], $0xffff;
	v19 =	vmax.f32 v30, v31;
	v14 =	vmax.f32 v12, v14;
	v11 =	vmax.f32 v58, v11  }
0x71: {  	v22 =	vld.idx.msk [tilespmem:v1+s31+$0xF0 ss:$0x1], $0xffff;
	v19 =	vmax.f32 v19, v21;
	v21 =	vmax.f32 v34, v35;
	v13 =	vmax.f32 v15, v13  }
0x72: {  	s18 =	simm.s32 $0x400;
	v26 =	vld.idx.msk [tilespmem:v1+s31+$0x120 ss:$0x1], $0xffff;
	v15 =	vmax.f32 v16, v18;
	v25 =	vmax.f32 v17, v19;
	v12 =	vmax.f32 v21, v23  }
0x73: {  	v18 =	vld.idx.msk [tilespmem:v1+s18+$0x1A0 ss:$0x1], $0xffff;
	v19 =	vmax.f32 v38, v39;
	v21 =	vmax.f32 v40, v41;
	v23 =	vmax.f32 v42, v43  }
0x74: {  	v17 =	vld.idx.msk [tilespmem:v1+s31+$0x110 ss:$0x1], $0xffff;
	v19 =	vmax.f32 v19, v21;
	v21 =	vmax.f32 v23, v27;
	v23 =	vmax.f32 v46, v47  }
0x75: {  	v27 =	vld.idx.msk [tilespmem:v1+s31+$0x140 ss:$0x1], $0xffff;
	v49 =	vmax.f32 v12, v19;
	v12 =	vmax.f32 v50, v51;
	v19 =	vmax.f32 v52, v53  }
0x76: {  	v16 =	vmax.f32 v20, v22;
	v23 =	vmax.f32 v21, v23;
	v21 =	vld.idx.msk [tilespmem:v1+s31+$0x150 ss:$0x1], $0xffff;
	v12 =	vmax.f32 v12, v19  }
0x77: {  	v11 =	vmax.f32 v11, v13;
	v22 =	vld.idx.msk [tilespmem:v1+s18+$0x190 ss:$0x1], $0xffff;
	v29 =	vmax.f32 v12, v29;
	v12 =	vmax.f32 v15, v16  }
0x78: {  	v63 =	vmax.f32 v61, v62;
	v20 =	vld.idx.msk [tilespmem:v1+s18+$0x1B0 ss:$0x1], $0xffff;
	v11 =	vmax.f32 v11, v12;
	v12 =	vimm.f32 $-Inf  }
0x79: {  	v26 =	vmax.f32 v26, v48;
	v19 =	vld.idx.msk [tilespmem:v1+s18+$0x180 ss:$0x1], $0xffff;
	v24 =	vmax.f32 v24, v17;
	v10 =	vmax.f32 v12, v10  }
0x7a: {  	v17 =	vmax.f32 v12, v14;
	v16 =	vmax.f32 v12, v25;
	v14 =	vmax.f32 v12, v23;
	v23 =	vld.idx.msk [tilespmem:v1+s18+$0x1D0 ss:$0x1], $0xffff  }
0x7b: {  	v15 =	vmax.f32 v12, v49;
	v25 =	vmax.f32 v24, v26;
	v24 =	vld.idx.msk [tilespmem:v1+s18+$0x1E0 ss:$0x1], $0xffff;
	v27 =	vmax.f32 v27, v21  }
0x7c: {  	s19 =	simm.s32 $0x2000;
	v13 =	vmax.f32 v12, v29;
	v11 =	vmax.f32 v12, v11;
	v21 =	vld.idx.msk [tilespmem:v1+s18+$0x1C0 ss:$0x1], $0xffff;
	v26 =	vmax.f32 v27, v63  }
.LBB2_8:
0x7d: {  	p0 =	sne.s32 s19, $0x1F000;
	v27 =	vld.idx.msk [tilespmem:v1+s18+$0x1F0 ss:$0x1], $0xffff;
	v25 =	vmax.f32 v25, v26  }
0x7e: {  	v26 =	vld.idx.msk [tilespmem:v1+s18+$0xFFFFFE00 ss:$0x1], $0xffff;
	v12 =	vmax.f32 v12, v25  }
0x7f: {  	v25 =	vld.idx.msk [tilespmem:v1+s18+$0xFFFFFE10 ss:$0x1], $0xffff  }
0x80: {  	v28 =	vld.idx.msk [tilespmem:v1+s18+$0xFFFFFE20 ss:$0x1], $0xffff  }
0x81: {  	v29 =	vld.idx.msk [tilespmem:v1+s18+$0xFFFFFE30 ss:$0x1], $0xffff  }
0x82: {  	v19 =	vmax.f32 v19, v22;
	v30 =	vld.idx.msk [tilespmem:v1+s18+$0xFFFFFE40 ss:$0x1], $0xffff  }
0x83: {  	v18 =	vmax.f32 v18, v20;
	v20 =	vmax.f32 v21, v23;
	v21 =	vmax.f32 v24, v27;
	v22 =	vld.idx.msk [tilespmem:v1+s18+$0xFFFFFE50 ss:$0x1], $0xffff  }
0x84: {  	v18 =	vmax.f32 v19, v18;
	v19 =	vmax.f32 v20, v21;
	v23 =	vld.idx.msk [tilespmem:v1+s18+$0xFFFFFE60 ss:$0x1], $0xffff  }
0x85: {  	v21 =	vmax.f32 v26, v25;
	v18 =	vmax.f32 v18, v19;
	v20 =	vld.idx.msk [tilespmem:v1+s18+$0xFFFFFE70 ss:$0x1], $0xffff  }
0x86: {  	v10 =	vmax.f32 v10, v18;
	v19 =	vld.idx.msk [tilespmem:v1+s18+$0xFFFFFE80 ss:$0x1], $0xffff  }
0x87: {  	v18 =	vmax.f32 v28, v29;
	v24 =	vld.idx.msk [tilespmem:v1+s18+$0xFFFFFE90 ss:$0x1], $0xffff  }
0x88: {  	v18 =	vmax.f32 v21, v18;
	v21 =	vld.idx.msk [tilespmem:v1+s18+$0xFFFFFEA0 ss:$0x1], $0xffff  }
0x89: {  	v22 =	vmax.f32 v30, v22;
	v25 =	vld.idx.msk [tilespmem:v1+s18+$0xFFFFFEB0 ss:$0x1], $0xffff  }
0x8a: {  	v26 =	vld.idx.msk [tilespmem:v1+s18+$0xFFFFFEC0 ss:$0x1], $0xffff  }
0x8b: {  	v20 =	vmax.f32 v23, v20;
	v23 =	vld.idx.msk [tilespmem:v1+s18+$0xFFFFFED0 ss:$0x1], $0xffff  }
0x8c: {  	v20 =	vmax.f32 v22, v20;
	v22 =	vld.idx.msk [tilespmem:v1+s18+$0xFFFFFEE0 ss:$0x1], $0xffff  }
0x8d: {  	v18 =	vmax.f32 v18, v20;
	v19 =	vmax.f32 v19, v24;
	v20 =	vld.idx.msk [tilespmem:v1+s18+$0xFFFFFEF0 ss:$0x1], $0xffff  }
0x8e: {  	v17 =	vmax.f32 v17, v18;
	v18 =	vld.idx.msk [tilespmem:v1+s18+$0xFFFFFF00 ss:$0x1], $0xffff  }
0x8f: {  	v21 =	vmax.f32 v21, v25;
	v24 =	vld.idx.msk [tilespmem:v1+s18+$0xFFFFFF10 ss:$0x1], $0xffff  }
0x90: {  	v19 =	vmax.f32 v19, v21;
	v21 =	vld.idx.msk [tilespmem:v1+s18+$0xFFFFFF20 ss:$0x1], $0xffff  }
0x91: {  	v23 =	vmax.f32 v26, v23;
	v25 =	vld.idx.msk [tilespmem:v1+s18+$0xFFFFFF30 ss:$0x1], $0xffff  }
0x92: {  	v26 =	vld.idx.msk [tilespmem:v1+s18+$0xFFFFFF40 ss:$0x1], $0xffff  }
0x93: {  	v20 =	vmax.f32 v22, v20;
	v22 =	vld.idx.msk [tilespmem:v1+s18+$0xFFFFFF50 ss:$0x1], $0xffff  }
0x94: {  	v20 =	vmax.f32 v23, v20;
	v23 =	vld.idx.msk [tilespmem:v1+s18+$0xFFFFFF60 ss:$0x1], $0xffff  }
0x95: {  	v19 =	vmax.f32 v19, v20;
	v18 =	vmax.f32 v18, v24;
	v20 =	vld.idx.msk [tilespmem:v1+s18+$0xFFFFFF70 ss:$0x1], $0xffff  }
0x96: {  	v16 =	vmax.f32 v16, v19;
	v19 =	vld.idx.msk [tilespmem:v1+s18+$0xFFFFFF80 ss:$0x1], $0xffff  }
0x97: {  	v21 =	vmax.f32 v21, v25;
	v24 =	vld.idx.msk [tilespmem:v1+s18+$0xFFFFFF90 ss:$0x1], $0xffff  }
0x98: {  	v18 =	vmax.f32 v18, v21;
	v21 =	vld.idx.msk [tilespmem:v1+s18+$0xFFFFFFA0 ss:$0x1], $0xffff  }
0x99: {  	v22 =	vmax.f32 v26, v22;
	v25 =	vld.idx.msk [tilespmem:v1+s18+$0xFFFFFFB0 ss:$0x1], $0xffff  }
0x9a: {  	v26 =	vld.idx.msk [tilespmem:v1+s18+$0xFFFFFFC0 ss:$0x1], $0xffff  }
0x9b: {  	v20 =	vmax.f32 v23, v20;
	v23 =	vld.idx.msk [tilespmem:v1+s18+$0xFFFFFFD0 ss:$0x1], $0xffff  }
0x9c: {  	v20 =	vmax.f32 v22, v20;
	v22 =	vld.idx.msk [tilespmem:v1+s18+$0xFFFFFFE0 ss:$0x1], $0xffff  }
0x9d: {  	v18 =	vmax.f32 v18, v20;
	v19 =	vmax.f32 v19, v24;
	v20 =	vld.idx.msk [tilespmem:v1+s18+$0xFFFFFFF0 ss:$0x1], $0xffff  }
0x9e: {  	v15 =	vmax.f32 v15, v18;
	v18 =	vld.idx.msk [tilespmem:v1+s18+$0x0 ss:$0x1], $0xffff  }
0x9f: {  	v21 =	vmax.f32 v21, v25;
	v24 =	vld.idx.msk [tilespmem:v1+s18+$0x10 ss:$0x1], $0xffff  }
0xa0: {  	v19 =	vmax.f32 v19, v21;
	v21 =	vld.idx.msk [tilespmem:v1+s18+$0x20 ss:$0x1], $0xffff  }
0xa1: {  	v23 =	vmax.f32 v26, v23;
	v25 =	vld.idx.msk [tilespmem:v1+s18+$0x30 ss:$0x1], $0xffff  }
0xa2: {  	v26 =	vld.idx.msk [tilespmem:v1+s18+$0x40 ss:$0x1], $0xffff  }
0xa3: {  	v20 =	vmax.f32 v22, v20;
	v22 =	vld.idx.msk [tilespmem:v1+s18+$0x50 ss:$0x1], $0xffff  }
0xa4: {  	v20 =	vmax.f32 v23, v20;
	v23 =	vld.idx.msk [tilespmem:v1+s18+$0x60 ss:$0x1], $0xffff  }
0xa5: {  	v19 =	vmax.f32 v19, v20;
	v18 =	vmax.f32 v18, v24;
	v20 =	vld.idx.msk [tilespmem:v1+s18+$0x70 ss:$0x1], $0xffff  }
0xa6: {  	v14 =	vmax.f32 v14, v19;
	v19 =	vld.idx.msk [tilespmem:v1+s18+$0x80 ss:$0x1], $0xffff  }
0xa7: {  	v21 =	vmax.f32 v21, v25;
	v24 =	vld.idx.msk [tilespmem:v1+s18+$0x90 ss:$0x1], $0xffff  }
0xa8: {  	v18 =	vmax.f32 v18, v21;
	v21 =	vld.idx.msk [tilespmem:v1+s18+$0xA0 ss:$0x1], $0xffff  }
0xa9: {  	v22 =	vmax.f32 v26, v22;
	v25 =	vld.idx.msk [tilespmem:v1+s18+$0xB0 ss:$0x1], $0xffff  }
0xaa: {  	v26 =	vld.idx.msk [tilespmem:v1+s18+$0xC0 ss:$0x1], $0xffff  }
0xab: {  	v20 =	vmax.f32 v23, v20;
	v23 =	vld.idx.msk [tilespmem:v1+s18+$0xD0 ss:$0x1], $0xffff  }
0xac: {  	v20 =	vmax.f32 v22, v20;
	v22 =	vld.idx.msk [tilespmem:v1+s18+$0xE0 ss:$0x1], $0xffff  }
0xad: {  	v18 =	vmax.f32 v18, v20;
	v19 =	vmax.f32 v19, v24;
	v20 =	vld.idx.msk [tilespmem:v1+s18+$0xF0 ss:$0x1], $0xffff  }
0xae: {  	v13 =	vmax.f32 v13, v18;
	v18 =	vld.idx.msk [tilespmem:v1+s18+$0x100 ss:$0x1], $0xffff  }
0xaf: {  	v21 =	vmax.f32 v21, v25;
	v24 =	vld.idx.msk [tilespmem:v1+s18+$0x110 ss:$0x1], $0xffff  }
0xb0: {  	v19 =	vmax.f32 v19, v21;
	v21 =	vld.idx.msk [tilespmem:v1+s18+$0x120 ss:$0x1], $0xffff  }
0xb1: {  	v23 =	vmax.f32 v26, v23;
	v25 =	vld.idx.msk [tilespmem:v1+s18+$0x130 ss:$0x1], $0xffff  }
0xb2: {  	v26 =	vld.idx.msk [tilespmem:v1+s18+$0x140 ss:$0x1], $0xffff  }
0xb3: {  	v20 =	vmax.f32 v22, v20;
	v27 =	vld.idx.msk [tilespmem:v1+s18+$0x150 ss:$0x1], $0xffff  }
0xb4: {  	v20 =	vmax.f32 v23, v20;
	v28 =	vld.idx.msk [tilespmem:v1+s18+$0x160 ss:$0x1], $0xffff  }
0xb5: {  	v20 =	vmax.f32 v19, v20;
	v23 =	vmax.f32 v18, v24;
	v29 =	vld.idx.msk [tilespmem:v1+s18+$0x170 ss:$0x1], $0xffff;
	s18 =	sshra.s32 s19, $0x2  }
0xb6: {  	v11 =	vmax.f32 v11, v20;
	v19 =	vld.idx.msk [tilespmem:v1+s18+$0x180 ss:$0x1], $0xffff  }
0xb7: {  	v20 =	vmax.f32 v21, v25;
	v22 =	vld.idx.msk [tilespmem:v1+s18+$0x190 ss:$0x1], $0xffff  }
.Ltmp3:
0xb8: {  	v25 =	vmax.f32 v23, v20;
	v18 =	vld.idx.msk [tilespmem:v1+s18+$0x1A0 ss:$0x1], $0xffff;
	(pc) =	sbr.rel @p0 .LBB2_8-.Ltmp3, $4  }
0xb9: {  	v26 =	vmax.f32 v26, v27;
	v20 =	vld.idx.msk [tilespmem:v1+s18+$0x1B0 ss:$0x1], $0xffff  }
0xba: {  	v21 =	vld.idx.msk [tilespmem:v1+s18+$0x1C0 ss:$0x1], $0xffff  }
0xbb: {  	v27 =	vmax.f32 v28, v29;
	v23 =	vld.idx.msk [tilespmem:v1+s18+$0x1D0 ss:$0x1], $0xffff  }
0xbc: {  	s19 =	sadd.s32 $0x1000, s19;
	v26 =	vmax.f32 v26, v27;
	v24 =	vld.idx.msk [tilespmem:v1+s18+$0x1E0 ss:$0x1], $0xffff  }
0xbd: {  	_ =	sdelay $0x3  }
0xbe: {  	v27 =	vld.idx.msk [tilespmem:v1+s18+$0xFFFFFE00 ss:$0x1], $0xffff  }
0xbf: {  	v28 =	vld.idx.msk [tilespmem:v1+s18+$0xFFFFFE10 ss:$0x1], $0xffff  }
0xc0: {  	v29 =	vld.idx.msk [tilespmem:v1+s18+$0xFFFFFE20 ss:$0x1], $0xffff  }
0xc1: {  	v30 =	vld.idx.msk [tilespmem:v1+s18+$0xFFFFFE30 ss:$0x1], $0xffff  }
0xc2: {  	v31 =	vld.idx.msk [tilespmem:v1+s18+$0xFFFFFE40 ss:$0x1], $0xffff  }
0xc3: {  	v32 =	vld.idx.msk [tilespmem:v1+s18+$0xFFFFFE50 ss:$0x1], $0xffff  }
0xc4: {  	v33 =	vld.idx.msk [tilespmem:v1+s18+$0xFFFFFE60 ss:$0x1], $0xffff  }
0xc5: {  	v34 =	vld.idx.msk [tilespmem:v1+s18+$0xFFFFFE70 ss:$0x1], $0xffff  }
0xc6: {  	v35 =	vld.idx.msk [tilespmem:v1+s18+$0xFFFFFE80 ss:$0x1], $0xffff  }
0xc7: {  	v36 =	vld.idx.msk [tilespmem:v1+s18+$0xFFFFFE90 ss:$0x1], $0xffff  }
0xc8: {  	v37 =	vld.idx.msk [tilespmem:v1+s18+$0xFFFFFEA0 ss:$0x1], $0xffff  }
0xc9: {  	v38 =	vld.idx.msk [tilespmem:v1+s18+$0xFFFFFEB0 ss:$0x1], $0xffff  }
0xca: {  	v39 =	vld.idx.msk [tilespmem:v1+s18+$0xFFFFFEC0 ss:$0x1], $0xffff  }
0xcb: {  	v40 =	vld.idx.msk [tilespmem:v1+s18+$0xFFFFFED0 ss:$0x1], $0xffff  }
0xcc: {  	v41 =	vld.idx.msk [tilespmem:v1+s18+$0xFFFFFEE0 ss:$0x1], $0xffff  }
0xcd: {  	v42 =	vld.idx.msk [tilespmem:v1+s18+$0xFFFFFEF0 ss:$0x1], $0xffff  }
0xce: {  	v43 =	vld.idx.msk [tilespmem:v1+s18+$0xFFFFFF00 ss:$0x1], $0xffff  }
0xcf: {  	v44 =	vld.idx.msk [tilespmem:v1+s18+$0xFFFFFF10 ss:$0x1], $0xffff  }
0xd0: {  	v45 =	vld.idx.msk [tilespmem:v1+s18+$0xFFFFFF20 ss:$0x1], $0xffff  }
0xd1: {  	v46 =	vld.idx.msk [tilespmem:v1+s18+$0xFFFFFF30 ss:$0x1], $0xffff  }
0xd2: {  	v47 =	vld.idx.msk [tilespmem:v1+s18+$0xFFFFFF40 ss:$0x1], $0xffff  }
0xd3: {  	v48 =	vld.idx.msk [tilespmem:v1+s18+$0xFFFFFF50 ss:$0x1], $0xffff  }
0xd4: {  	v49 =	vld.idx.msk [tilespmem:v1+s18+$0xFFFFFF60 ss:$0x1], $0xffff  }
0xd5: {  	v50 =	vld.idx.msk [tilespmem:v1+s18+$0xFFFFFF70 ss:$0x1], $0xffff  }
0xd6: {  	v51 =	vld.idx.msk [tilespmem:v1+s18+$0xFFFFFF80 ss:$0x1], $0xffff  }
0xd7: {  	v52 =	vld.idx.msk [tilespmem:v1+s18+$0xFFFFFF90 ss:$0x1], $0xffff  }
0xd8: {  	v53 =	vld.idx.msk [tilespmem:v1+s18+$0xFFFFFFA0 ss:$0x1], $0xffff  }
0xd9: {  	v54 =	vld.idx.msk [tilespmem:v1+s18+$0xFFFFFFB0 ss:$0x1], $0xffff  }
0xda: {  	v55 =	vld.idx.msk [tilespmem:v1+s18+$0xFFFFFFC0 ss:$0x1], $0xffff  }
0xdb: {  	v56 =	vld.idx.msk [tilespmem:v1+s18+$0xFFFFFFD0 ss:$0x1], $0xffff  }
0xdc: {  	v57 =	vld.idx.msk [tilespmem:v1+s18+$0xFFFFFFE0 ss:$0x1], $0xffff  }
0xdd: {  	v58 =	vld.idx.msk [tilespmem:v1+s18+$0xFFFFFFF0 ss:$0x1], $0xffff  }
0xde: {  	v59 =	vld.idx.msk [tilespmem:v1+s18+$0x0 ss:$0x1], $0xffff  }
0xdf: {  	v60 =	vld.idx.msk [tilespmem:v1+s18+$0x10 ss:$0x1], $0xffff  }
0xe0: {  	v61 =	vld.idx.msk [tilespmem:v1+s18+$0x20 ss:$0x1], $0xffff  }
0xe1: {  	v9 =	vnsel vm1, $0xFF800000, v9;
	v62 =	vld.idx.msk [tilespmem:v1+s18+$0x30 ss:$0x1], $0xffff  }
0xe2: {  	v5 =	vnsel vm0, $0xFF800000, v5;
	(xrf0) =	vmax.scan.msk.f32 $0xffff, v9;
	v9 =	vld.idx.msk [tilespmem:v1+s18+$0x40 ss:$0x1], $0xffff  }
0xe3: {  	v4 =	vnsel vm3, $0xFF800000, v4;
	v3 =	vnsel vm4, $0xFF800000, v3;
	(xrf0) =	vmax.scan.msk.f32 $0xffff, v5;
	v5 =	vld.idx.msk [tilespmem:v1+s18+$0x50 ss:$0x1], $0xffff  }
0xe4: {  	v2 =	vnsel vm2, $0xFF800000, v2;
	(xrf0) =	vmax.scan.msk.f32 $0xffff, v4;
	v4 =	vld.idx.msk [tilespmem:v1+s18+$0x60 ss:$0x1], $0xffff;
	v27 =	vmax.f32 v27, v28;
	v28 =	vmax.f32 v29, v30  }
0xe5: {  	(xrf0) =	vmax.scan.msk.f32 $0xffff, v3;
	v29 =	vmax.f32 v31, v32;
	v63 =	vmax.f32 v33, v34;
	v34 =	vmax.f32 v35, v36  }
0xe6: {  	v3 =	vld.idx.msk [tilespmem:v1+s18+$0x70 ss:$0x1], $0xffff;
	v35 =	vmax.f32 v37, v38;
	(xrf0) =	vmax.scan.msk.f32 $0xffff, v2;
	v2 =	vnsel vm6, $0xFF800000, v6;
	v36 =	vmax.f32 v39, v40  }
0xe7: {  	v6 =	vld.idx.msk [tilespmem:v1+s18+$0x80 ss:$0x1], $0xffff;
	v37 =	vmax.f32 v41, v42;
	v40 =	vmax.f32 v43, v44;
	v42 =	vmax.f32 v45, v46  }
0xe8: {  	v30 =	vld.idx.msk [tilespmem:v1+s18+$0xC0 ss:$0x1], $0xffff;
	v45 =	vmax.f32 v47, v48;
	v46 =	vmax.f32 v49, v50;
	v52 =	vmax.f32 v51, v52  }
0xe9: {  	v54 =	vmax.f32 v53, v54;
	v56 =	vmax.f32 v55, v56;
	v58 =	vmax.f32 v57, v58;
	v51 =	vld.idx.msk [tilespmem:v1+s18+$0x160 ss:$0x1], $0xffff  }
0xea: {  	v53 =	vld.idx.msk [tilespmem:v1+s18+$0x170 ss:$0x1], $0xffff;
	v27 =	vmax.f32 v27, v28;
	v33 =	vmax.f32 v29, v63;
	(xrf0) =	vmax.scan.msk.f32 $0xffff, v2;
	v2 =	vnsel vm7, $0xFF800000, v7  }
0xeb: {  	v7 =	vld.idx.msk [tilespmem:v1+s18+$0x90 ss:$0x1], $0xffff;
	v38 =	vmax.f32 v36, v37;
	v27 =	vmax.f32 v27, v33;
	v39, _, _ =	vpop (xrf0);
	(xrf0) =	vmax.scan.msk.f32 $0xffff, v2;
	v2 =	vnsel vm5, $0xFF800000, v8  }
0xec: {  	v48 =	vmax.f32 v45, v46;
	v28 =	vld.idx.msk [tilespmem:v1+s18+$0xF0 ss:$0x1], $0xffff;
	v17 =	vmax.f32 v17, v27;
	(v2sf) =	vpush v39, $0xF;
	v41, _, _ =	vpop (xrf0);
	(xrf0) =	vmax.scan.msk.f32 $0xffff, v2  }
0xed: {  	v29 =	vld.idx.msk [tilespmem:v1+s18+$0x100 ss:$0x1], $0xffff;
	v31 =	vmax.f32 v52, v54;
	v27 =	vmax.f32 v34, v35;
	(v2sf) =	vpush v41, $0xF;
	v43, _, _ =	vpop (xrf0);
	(xrf0) =	vmax.scan.msk.f32 $0xffff, v17  }
0xee: {  	v63 =	vld.idx.msk [tilespmem:v1+s18+$0x110 ss:$0x1], $0xffff;
	v45 =	vmax.f32 v59, v60;
	v27 =	vmax.f32 v27, v38;
	v44, _, _ =	vpop (xrf0);
	(v2sf) =	vpush v43, $0xF  }
0xef: {  	v46 =	vmax.f32 v61, v62;
	v8 =	vld.idx.msk [tilespmem:v1+s18+$0xA0 ss:$0x1], $0xffff;
	v16 =	vmax.f32 v16, v27;
	v47, _, _ =	vpop (xrf0);
	(v2sf) =	vpush v44, $0xF  }
0xf0: {  	v52 =	vmax.f32 v25, v26;
	v61 =	vmax.f32 v18, v20;
	v33 =	vld.idx.msk [tilespmem:v1+s18+$0xD0 ss:$0x1], $0xffff;
	(xrf0) =	vmax.scan.msk.f32 $0xffff, v16;
	(v2sf) =	vpush v47, $0xF;
	v49, _, _ =	vpop (xrf0)  }
0xf1: {  	v62 =	vmax.f32 v21, v23;
	v5 =	vmax.f32 v9, v5;
	v2 =	vld.idx.msk [tilespmem:v1+s18+$0xB0 ss:$0x1], $0xffff;
	v50, _, _ =	vpop (xrf0);
	(v2sf) =	vpush v49, $0xF  }
0xf2: {  	v9 =	vmax.f32 v12, v52;
	v17 =	vld.idx.msk [tilespmem:v1+s18+$0xE0 ss:$0x1], $0xffff;
	v3 =	vmax.f32 v4, v3;
	(v2sf) =	vpush v50, $0xF;
	v39, _, _ =	vpop (xrf0)  }
0xf3: {  	v41 =	vld.idx.msk [tilespmem:v1+s18+$0x120 ss:$0x1], $0xffff;
	v27 =	vmax.f32 v40, v42;
	v40 =	vmax.f32 v56, v58;
	(v2sf) =	vpush v39, $0xF;
	v42, _, _ =	vpop (xrf0)  }
0xf4: {  	v3 =	vmax.f32 v5, v3;
	v27 =	vmax.f32 v27, v48;
	v44 =	vld.idx.msk [tilespmem:v1+s18+$0x130 ss:$0x1], $0xffff;
	(v2sf) =	vpush v42, $0xF  }
0xf5: {  	v43 =	vmax.f32 v31, v40;
	v48 =	vld.idx.msk [tilespmem:v1+s18+$0x150 ss:$0x1], $0xffff;
	v6 =	vmax.f32 v6, v7;
	v15 =	vmax.f32 v15, v27  }
0xf6: {  	v14 =	vmax.f32 v14, v43;
	v47 =	vld.idx.msk [tilespmem:v1+s18+$0x140 ss:$0x1], $0xffff;
	(xrf0) =	vmax.scan.msk.f32 $0xffff, v15;
	v50 =	vmax.f32 v45, v46;
	v49, _, _ =	vpop (xrf0)  }
0xf7: {  	v54 =	vmax.f32 v30, v33;
	v1 =	vld.idx.msk [tilespmem:v1+s18+$0x1F0 ss:$0x1], $0xffff;
	(xrf0) =	vmax.scan.msk.f32 $0xffff, v14;
	v3 =	vmax.f32 v50, v3;
	(v2sf) =	vpush v49, $0xF  }
0xf8: {  	v2 =	vmax.f32 v8, v2;
	v55 =	vmax.f32 v17, v28;
	v3 =	vmax.f32 v13, v3  }
0xf9: {  	v5 =	vmax.f32 v51, v53;
	v2 =	vmax.f32 v6, v2;
	v56 =	vmax.f32 v54, v55;
	(xrf0) =	vmax.scan.msk.f32 $0xffff, v3  }
0xfa: {  	v57 =	vmax.f32 v29, v63;
	v2 =	vmax.f32 v2, v56;
	v58 =	vmax.f32 v41, v44  }
0xfb: {  	v3 =	vmax.f32 v19, v22;
	v4 =	vmax.f32 v47, v48;
	v6 =	vmax.f32 v57, v58;
	s19 =	spop (v2sf)  }
0xfc: {  	v2 =	vmax.f32 v11, v2;
	v1 =	vmax.f32 v24, v1;
	v4 =	vmax.f32 v4, v5;
	v59, _, _ =	vpop (xrf0);
	s31 =	spop (v2sf)  }
0xfd: {  	v1 =	vmax.f32 v62, v1;
	v4 =	vmax.f32 v6, v4;
	(xrf0) =	vmax.scan.msk.f32 $0xffff, v2;
	v60, _, _ =	vpop (xrf0);
	(v2sf) =	vpush v59, $0xF;
	s20 =	spop (v2sf)  }
0xfe: {  	v2 =	vmax.f32 v3, v61;
	v4 =	vmax.f32 v9, v4;
	(v2sf) =	vpush v60, $0xF;
	s21 =	spop (v2sf)  }
0xff: {  	v1 =	vmax.f32 v2, v1;
	(xrf0) =	vmax.scan.msk.f32 $0xffff, v4;
	v63, _, _ =	vpop (xrf0);
	s22 =	spop (v2sf)  }
0x100: {  	v1 =	vmax.f32 v10, v1;
	(v2sf) =	vpush v63, $0xF;
	s23 =	spop (v2sf)  }
0x101: {  	(xrf0) =	vmax.scan.msk.f32 $0xffff, v1;
	s24 =	spop (v2sf)  }
0x102: {  	s25 =	spop (v2sf)  }
0x103: {  	v1, _, _ =	vpop (xrf0);
	s26 =	spop (v2sf)  }
0x104: {  	(v2sf) =	vpush v1, $0xF;
	s19 =	ssub.f32 s26, s19  }
0x105: {  	v2, _, _ =	vpop (xrf0)  }
0x106: {  	(v2sf) =	vpush v2, $0xF;
	s28 =	spop (v2sf);
	s19 =	sadd.f32 $2.000000030e-01, s19  }
0x107: {  	v1, _, _ =	vpop (xrf0);
	s18 =	ssub.f32 s28, s31  }
0x108: {  	(v2sf) =	vpush v1, $0xF  }
0x109: {  	s19 =	smax.f32 s19, $0.0e+00;
	s18 =	sadd.f32 $2.000000030e-01, s18  }
0x10a: {  	s17 =	sadd.f32 s19, s17  }
0x10b: {  	s18 =	smax.f32 s18, $0.0e+00  }
0x10c: {  	s29 =	spop (v2sf);
	s17 =	sadd.f32 s18, s17  }
0x10d: {  	s30 =	spop (v2sf);
	s19 =	ssub.f32 s29, s20  }
0x10e: {  	s18 =	ssub.f32 s30, s21  }
0x10f: {  	s31 =	spop (v2sf);
	s19 =	sadd.f32 $2.000000030e-01, s19  }
0x110: {  	s20 =	ssub.f32 s31, s22  }
0x111: {  	s18 =	sadd.f32 $2.000000030e-01, s18  }
0x112: {  	s19 =	smax.f32 s19, $0.0e+00;
	s21 =	sadd.f32 $2.000000030e-01, s20  }
0x113: {  	s26 =	spop (v2sf);
	s17 =	sadd.f32 s19, s17  }
0x114: {  	s18 =	smax.f32 s18, $0.0e+00;
	s19 =	ssub.f32 s26, s23  }
0x115: {  	s28 =	spop (v2sf);
	s17 =	sadd.f32 s18, s17  }
0x116: {  	s18 =	ssub.f32 s28, s24  }
0x117: {  	s29 =	spop (v2sf);
	s19 =	sadd.f32 $2.000000030e-01, s19  }
0x118: {  	s22 =	smax.f32 s21, $0.0e+00;
	s20 =	ssub.f32 s29, s25  }
0x119: {  	p0 =	sne.s32 s16, $0x0;
	s17 =	sadd.f32 s22, s17  }
0x11a: {  	s16 =	sadd.s32 $0x1, s16;
	s30 =	sadd.f32 $2.000000030e-01, s20;
	s20 =	simm.s32 @!p0 $0x0  }
0x11b: {  	[tilespmem:s20], [sflag:$0x1] =	stream.linear.gather @!p0 [hbm4b:s8+s20], $0x8000, $0x38;
	[tilespmem:$0x18080] =	vst v63  }
0x11c: {  	s18 =	sadd.f32 $2.000000030e-01, s18;
	s19 =	smax.f32 s19, $0.0e+00;
	p0 =	sne.s32 s16, $0x4  }
.Ltmp4:
0x11d: {  	s17 =	sadd.f32 s19, s17;
	(pc) =	sbr.rel @p0 .LBB2_2-.Ltmp4, $4  }
0x11e: {  	s18 =	smax.f32 s18, $0.0e+00  }
0x11f: {  	s17 =	sadd.f32 s18, s17  }
0x120: {  	s31 =	smax.f32 s30, $0.0e+00  }
0x121: {  	s17 =	sadd.f32 s31, s17  }
0x122: {  	s15 =	sadd.s32 $0x1, s15  }
0x123: {  	v1 =	vmov s17;
	p0 =	sne.s32 s15, s10  }
.Ltmp5:
0x124: {  	[tilespmem:$0x18000] =	vst v1;
	(pc) =	sbr.rel @p0 .LBB2_1-.Ltmp5, $4  }
0x125: {  	[hbm4b:s9+s2] =	stream.linear.scatter [tilespmem:s13], [sflag:$0x4], $0x80, $0x38;
	[tilespmem:$0x18080] =	vst v63  }
0x126: {  	_ =	swait.ge [sflag:s14], $0x80  }
0x127: {  	[sflag:s14] =	ssyncset.done $0x0  }
0x128: {  	[sflag:s14] =	ssyncadd.s32 $0xFFFFFF80  }
0x129: {  	_ =	sfence.sel $0x180000  }
0x12a: {  	[bflag:$0x0] =	sbarrier.arrive $0xFFFF  }
0x12b: {  	p0 =	sne.s32 s1, $0x0;
	_ =	strace $0x90000047  }
0x12c: {  	s0 =	sadd.s32 @!p0 $0x100000, s0;
	[bflag:$0x2] =	sbarrier.arrive $0xFFFF  }
0x12d: {  	[sflag:s0] =	ssyncadd.tile.s32 @!p0 $0x1;
	_ =	shalt  }
.Lfunc_end2:
_tile_overlayer_lowered:
.L_overlay_start_2:
0x12e: {  	(tag) =	ssettag $0x2  }
0x12f: {  	s0 =	rddreg [dreg:$0x0];
	s2 =	stileid.u32  }
0x130: {  	s1 =	rddreg [dreg:$0x1];
	p0 =	sne.s32 s2, $0x0  }
0x131: {  	s3 =	rddreg [dreg:$0x2];
	[bflag:$0x3] =	sbarrier.arrive $0xFFFF;
	s2 =	simm.s32 @!p0 $0x1C04  }
0x132: {  	[timem:s3], [sflag:s2] =	dma.local @!p0 [hbm:s0], s1  }
0x133: {  	s0 =	simm.s32 @!p0 $0x4  }
0x134: {  	_ =	swait.ge @!p0 [sflag:s0], s1  }
0x135: {  	s1 =	ssub.s32 @!p0 $0x0, s1;
	[sflag:s0] =	ssyncset.done @!p0 $0x0  }
0x136: {  	[sflag:s0] =	ssyncadd.s32 @!p0 s1  }
0x137: {  	[bflag:$0x3] =	sbarrier.arrive $0xFFFF  }
0x138: {  	_ =	shalt  }

</sc_bundles>
